<compile_context>
chip_gen: v7x
topology: tpu7x:2x2x1
jax: 0.10.2.dev20260603
libtpu: 0.0.44.dev20260713+nightly
codegen_flags: <defaults>
</compile_context>

<pallas_src>
import functools

import jax
import jax.numpy as jnp
from jax import lax
from jax.experimental import pallas as pl
from jax.experimental.pallas import tpu as pltpu
from jax.experimental.pallas import tpu_sc as plsc

N_ROWS = 100000
N_COLS = 128
NUM_SEG = 512

NUM_CORES = 2
NUM_SUBCORES = 16
CHUNK = 250
CHUNKS = 25
NBUF = 5
ROWS_PER_TILE = CHUNK * CHUNKS
COLS_PER_CORE = N_COLS // NUM_CORES
SEG_PER_TILE = NUM_SEG // NUM_SUBCORES


@functools.partial(
    pl.kernel,
    mesh=plsc.VectorSubcoreMesh(core_axis_name="c", subcore_axis_name="s"),
    out_type=jax.ShapeDtypeStruct((NUM_SEG, N_COLS), jnp.float32),
    scratch_types=[
        pltpu.VMEM((CHUNKS, CHUNK), jnp.int32),
        pltpu.VMEM((NBUF, CHUNK, COLS_PER_CORE), jnp.float32),
        pltpu.VMEM((SEG_PER_TILE, COLS_PER_CORE), jnp.float32),
        pltpu.VMEM_SHARED((NUM_SEG, COLS_PER_CORE), jnp.float32),
        [pltpu.SemaphoreType.DMA] * 5,
        pltpu.SemaphoreType.DMA,
    ],
    compiler_params=pltpu.CompilerParams(use_tc_tiling_on_sc=False),
)
def _segment_sum_sc(x_hbm, ids_hbm, out_hbm, ids_v, bufs, stage_v,
                    acc_sh, sem_ld, sem_sc):
    assert len(sem_ld) == NBUF
    c = lax.axis_index("c")
    s = lax.axis_index("s")
    col0 = c * COLS_PER_CORE
    row0 = s * ROWS_PER_TILE

    zero16 = jnp.zeros((16,), jnp.float32)
    for r in range(SEG_PER_TILE):
        for k in range(COLS_PER_CORE // 16):
            stage_v[r, pl.ds(k * 16, 16)] = zero16
    pltpu.sync_copy(stage_v, acc_sh.at[pl.ds(s * SEG_PER_TILE, SEG_PER_TILE)])

    pltpu.sync_copy(ids_hbm.at[s], ids_v)
    plsc.subcore_barrier()

    def xsrc(j):
        return x_hbm.at[pl.ds(row0 + j * CHUNK, CHUNK),
                        pl.ds(col0, COLS_PER_CORE)]

    def scatter_chunk(b, jx):
        pltpu.async_copy(bufs.at[b], acc_sh.at[ids_v.at[jx]], sem_sc,
                         add=True).wait()

    for b in range(NBUF):
        pltpu.async_copy(xsrc(b), bufs.at[b], sem_ld[b])

    def body(i, carry):
        j0 = NBUF * i
        for b in range(NBUF):
            pltpu.make_async_copy(xsrc(j0 + b), bufs.at[b], sem_ld[b]).wait()
            scatter_chunk(b, j0 + b)

            @pl.when(j0 + b + NBUF < CHUNKS)
            def _():
                pltpu.async_copy(xsrc(j0 + b + NBUF), bufs.at[b], sem_ld[b])

        return carry

    lax.fori_loop(0, CHUNKS // NBUF, body, 0)
    plsc.subcore_barrier()

    pltpu.sync_copy(
        acc_sh.at[pl.ds(s * SEG_PER_TILE, SEG_PER_TILE)],
        out_hbm.at[pl.ds(s * SEG_PER_TILE, SEG_PER_TILE),
                   pl.ds(col0, COLS_PER_CORE)],
    )


def _copy_body(x_ref, o_ref):
    o_ref[...] = x_ref[...]


_COPY_BLOCK = 4000


def _identity_tc(x):
    return pl.pallas_call(
        _copy_body,
        grid=(N_ROWS // _COPY_BLOCK,),
        in_specs=[pl.BlockSpec((_COPY_BLOCK, N_COLS), lambda i: (i, 0))],
        out_specs=pl.BlockSpec((_COPY_BLOCK, N_COLS), lambda i: (i, 0)),
        out_shape=jax.ShapeDtypeStruct((N_ROWS, N_COLS), jnp.float32),
    )(x)


def kernel(x, batch):
    ids = batch.astype(jnp.int32).reshape(NUM_SUBCORES, CHUNKS, CHUNK)
    node_embedding = _identity_tc(x)
    graph_embedding = _segment_sum_sc(x, ids)
    return (node_embedding, graph_embedding)

# --- scband reference (transcript-rebuilt; emitter-appended) ---
"""Pipeline reference for scband-identity-model-5368709120509 (READ-ONLY COPY).

The authoritative reference and input builder live on the scoring server;
editing this copy changes nothing except your own understanding.
"""

import jax, jax.numpy as jnp
import numpy as np

NUM_SEGMENTS = 512

def setup_inputs(seed: int = 0) -> dict:
    key = jax.random.key(seed)
    k1, k2 = jax.random.split(key)
    x = jax.random.normal(k1, (100000, 128), dtype=jnp.float32)
    batch = jnp.sort(jax.random.randint(k2, (100000,), 0, NUM_SEGMENTS, dtype=jnp.int64))
    return {"x": x, "batch": batch}

def reference(x, batch):
    # IdentityModel.forward: node_embedding = x (identity);
    # graph_embedding = sum-readout over graphs, i.e. segment-sum of node
    # features grouped by the `batch` vector (graph assignment per node).
    node_embedding = x
    graph_embedding = jax.ops.segment_sum(x, batch, num_segments=NUM_SEGMENTS)
    return (node_embedding, graph_embedding)

if __name__ == "__main__":
    import jax
    _d = setup_inputs()
    print(jax.jit(kernel)(*tuple(_d.values())))

</pallas_src>

<mosaic_0001>
#map = affine_map<(d0, d1) -> (0, 0)>
#map1 = affine_map<(d0, d1) -> (0, 0, 0)>
module attributes {stable_mosaic.version = 14 : i64} {
  func.func @_segment_sum_sc(%arg0: i32, %arg1: i32, %arg2: memref<100000x128xf32, #tpu.memory_space<hbm>>, %arg3: memref<16x25x250xi32, #tpu.memory_space<hbm>>, %arg4: memref<512x128xf32, #tpu.memory_space<hbm>>, %arg5: memref<25x250xi32, #tpu.memory_space<vmem>>, %arg6: memref<5x250x64xf32, #tpu.memory_space<vmem>>, %arg7: memref<32x64xf32, #tpu.memory_space<vmem>>, %arg8: memref<512x64xf32, #tpu.memory_space<vmem_shared>>, %arg9: memref<!tpu.dma_semaphore, #tpu.memory_space<semaphore_mem>>, %arg10: memref<!tpu.dma_semaphore, #tpu.memory_space<semaphore_mem>>, %arg11: memref<!tpu.dma_semaphore, #tpu.memory_space<semaphore_mem>>, %arg12: memref<!tpu.dma_semaphore, #tpu.memory_space<semaphore_mem>>, %arg13: memref<!tpu.dma_semaphore, #tpu.memory_space<semaphore_mem>>, %arg14: memref<!tpu.dma_semaphore, #tpu.memory_space<semaphore_mem>>) attributes {dimension_semantics = [#tpu.dimension_semantics<core_parallel>, #tpu.dimension_semantics<subcore_parallel>], iteration_bounds = array<i64: 2, 16>, scalar_prefetch = 0 : i64, scratch_operands = 10 : i64, tpu.core_type = #tpu.core_type<sc_vector_subcore>, window_params = [{transform_indices = #map}, {transform_indices = #map1}, {transform_indices = #map}]} {
    %mul3A = arith.constant 64 : i32
    %mul3A_0 = arith.muli %arg0, %mul3A : i32
    %mul3A_1 = arith.constant 6250 : i32
    %mul3A_2 = arith.muli %arg1, %mul3A_1 : i32
    %broadcast_in_dim3A = arith.constant 0.000000e+00 : f32
    %broadcast_in_dim3A_3 = vector.broadcast %broadcast_in_dim3A : f32 to vector<16xf32>
    %swap3A = arith.constant 0 : i32
    %swap3A_4 = arith.index_cast %swap3A : i32 to index
    %swap3A_5 = arith.constant 0 : index
    %swap3A_6 = tpu.vector_load %arg7[%swap3A_4, %swap3A_5] {strides = array<i32>} : memref<32x64xf32, #tpu.memory_space<vmem>>, vector<1x16xf32>,
    %swap3A_7 = vector.shape_cast %swap3A_6 : vector<1x16xf32> to vector<16xf32>
    %swap3A_8 = vector.shape_cast %broadcast_in_dim3A_3 : vector<16xf32> to vector<1x16xf32>
    tpu.vector_store %arg7[%swap3A_4, %swap3A_5], %swap3A_8 {strides = array<i32>} : memref<32x64xf32, #tpu.memory_space<vmem>>, vector<1x16xf32>,
    %swap3A_9 = arith.constant 0 : i32
    %swap3A_10 = arith.index_cast %swap3A_9 : i32 to index
    %swap3A_11 = arith.constant 16 : index
    %swap3A_12 = tpu.vector_load %arg7[%swap3A_10, %swap3A_11] {strides = array<i32>} : memref<32x64xf32, #tpu.memory_space<vmem>>, vector<1x16xf32>,
    %swap3A_13 = vector.shape_cast %swap3A_12 : vector<1x16xf32> to vector<16xf32>
    %swap3A_14 = vector.shape_cast %broadcast_in_dim3A_3 : vector<16xf32> to vector<1x16xf32>
    tpu.vector_store %arg7[%swap3A_10, %swap3A_11], %swap3A_14 {strides = array<i32>} : memref<32x64xf32, #tpu.memory_space<vmem>>, vector<1x16xf32>,
    %swap3A_15 = arith.constant 0 : i32
    %swap3A_16 = arith.index_cast %swap3A_15 : i32 to index
    %swap3A_17 = arith.constant 32 : index
    %swap3A_18 = tpu.vector_load %arg7[%swap3A_16, %swap3A_17] {strides = array<i32>} : memref<32x64xf32, #tpu.memory_space<vmem>>, vector<1x16xf32>,
    %swap3A_19 = vector.shape_cast %swap3A_18 : vector<1x16xf32> to vector<16xf32>
    %swap3A_20 = vector.shape_cast %broadcast_in_dim3A_3 : vector<16xf32> to vector<1x16xf32>
    tpu.vector_store %arg7[%swap3A_16, %swap3A_17], %swap3A_20 {strides = array<i32>} : memref<32x64xf32, #tpu.memory_space<vmem>>, vector<1x16xf32>,
    %swap3A_21 = arith.constant 0 : i32
    %swap3A_22 = arith.index_cast %swap3A_21 : i32 to index
    %swap3A_23 = arith.constant 48 : index
    %swap3A_24 = tpu.vector_load %arg7[%swap3A_22, %swap3A_23] {strides = array<i32>} : memref<32x64xf32, #tpu.memory_space<vmem>>, vector<1x16xf32>,
    %swap3A_25 = vector.shape_cast %swap3A_24 : vector<1x16xf32> to vector<16xf32>
    %swap3A_26 = vector.shape_cast %broadcast_in_dim3A_3 : vector<16xf32> to vector<1x16xf32>
    tpu.vector_store %arg7[%swap3A_22, %swap3A_23], %swap3A_26 {strides = array<i32>} : memref<32x64xf32, #tpu.memory_space<vmem>>, vector<1x16xf32>,
    %swap3A_27 = arith.constant 1 : i32
    %swap3A_28 = arith.index_cast %swap3A_27 : i32 to index
    %swap3A_29 = arith.constant 0 : index
    %swap3A_30 = tpu.vector_load %arg7[%swap3A_28, %swap3A_29] {strides = array<i32>} : memref<32x64xf32, #tpu.memory_space<vmem>>, vector<1x16xf32>,
    %swap3A_31 = vector.shape_cast %swap3A_30 : vector<1x16xf32> to vector<16xf32>
    %swap3A_32 = vector.shape_cast %broadcast_in_dim3A_3 : vector<16xf32> to vector<1x16xf32>
    tpu.vector_store %arg7[%swap3A_28, %swap3A_29], %swap3A_32 {strides = array<i32>} : memref<32x64xf32, #tpu.memory_space<vmem>>, vector<1x16xf32>,
    %swap3A_33 = arith.constant 1 : i32
    %swap3A_34 = arith.index_cast %swap3A_33 : i32 to index
    %swap3A_35 = arith.constant 16 : index
    %swap3A_36 = tpu.vector_load %arg7[%swap3A_34, %swap3A_35] {strides = array<i32>} : memref<32x64xf32, #tpu.memory_space<vmem>>, vector<1x16xf32>,
    %swap3A_37 = vector.shape_cast %swap3A_36 : vector<1x16xf32> to vector<16xf32>
    %swap3A_38 = vector.shape_cast %broadcast_in_dim3A_3 : vector<16xf32> to vector<1x16xf32>
    tpu.vector_store %arg7[%swap3A_34, %swap3A_35], %swap3A_38 {strides = array<i32>} : memref<32x64xf32, #tpu.memory_space<vmem>>, vector<1x16xf32>,
    %swap3A_39 = arith.constant 1 : i32
    %swap3A_40 = arith.index_cast %swap3A_39 : i32 to index
    %swap3A_41 = arith.constant 32 : index
    %swap3A_42 = tpu.vector_load %arg7[%swap3A_40, %swap3A_41] {strides = array<i32>} : memref<32x64xf32, #tpu.memory_space<vmem>>, vector<1x16xf32>,
    %swap3A_43 = vector.shape_cast %swap3A_42 : vector<1x16xf32> to vector<16xf32>
    %swap3A_44 = vector.shape_cast %broadcast_in_dim3A_3 : vector<16xf32> to vector<1x16xf32>
    tpu.vector_store %arg7[%swap3A_40, %swap3A_41], %swap3A_44 {strides = array<i32>} : memref<32x64xf32, #tpu.memory_space<vmem>>, vector<1x16xf32>,
    %swap3A_45 = arith.constant 1 : i32
    %swap3A_46 = arith.index_cast %swap3A_45 : i32 to index
    %swap3A_47 = arith.constant 48 : index
    %swap3A_48 = tpu.vector_load %arg7[%swap3A_46, %swap3A_47] {strides = array<i32>} : memref<32x64xf32, #tpu.memory_space<vmem>>, vector<1x16xf32>,
    %swap3A_49 = vector.shape_cast %swap3A_48 : vector<1x16xf32> to vector<16xf32>
    %swap3A_50 = vector.shape_cast %broadcast_in_dim3A_3 : vector<16xf32> to vector<1x16xf32>
    tpu.vector_store %arg7[%swap3A_46, %swap3A_47], %swap3A_50 {strides = array<i32>} : memref<32x64xf32, #tpu.memory_space<vmem>>, vector<1x16xf32>,
    %swap3A_51 = arith.constant 2 : i32
    %swap3A_52 = arith.index_cast %swap3A_51 : i32 to index
    %swap3A_53 = arith.constant 0 : index
    %swap3A_54 = tpu.vector_load %arg7[%swap3A_52, %swap3A_53] {strides = array<i32>} : memref<32x64xf32, #tpu.memory_space<vmem>>, vector<1x16xf32>,
    %swap3A_55 = vector.shape_cast %swap3A_54 : vector<1x16xf32> to vector<16xf32>
    %swap3A_56 = vector.shape_cast %broadcast_in_dim3A_3 : vector<16xf32> to vector<1x16xf32>
    tpu.vector_store %arg7[%swap3A_52, %swap3A_53], %swap3A_56 {strides = array<i32>} : memref<32x64xf32, #tpu.memory_space<vmem>>, vector<1x16xf32>,
    %swap3A_57 = arith.constant 2 : i32
    %swap3A_58 = arith.index_cast %swap3A_57 : i32 to index
    %swap3A_59 = arith.constant 16 : index
    %swap3A_60 = tpu.vector_load %arg7[%swap3A_58, %swap3A_59] {strides = array<i32>} : memref<32x64xf32, #tpu.memory_space<vmem>>, vector<1x16xf32>,
    %swap3A_61 = vector.shape_cast %swap3A_60 : vector<1x16xf32> to vector<16xf32>
    %swap3A_62 = vector.shape_cast %broadcast_in_dim3A_3 : vector<16xf32> to vector<1x16xf32>
    tpu.vector_store %arg7[%swap3A_58, %swap3A_59], %swap3A_62 {strides = array<i32>} : memref<32x64xf32, #tpu.memory_space<vmem>>, vector<1x16xf32>,
    %swap3A_63 = arith.constant 2 : i32
    %swap3A_64 = arith.index_cast %swap3A_63 : i32 to index
    %swap3A_65 = arith.constant 32 : index
    %swap3A_66 = tpu.vector_load %arg7[%swap3A_64, %swap3A_65] {strides = array<i32>} : memref<32x64xf32, #tpu.memory_space<vmem>>, vector<1x16xf32>,
    %swap3A_67 = vector.shape_cast %swap3A_66 : vector<1x16xf32> to vector<16xf32>
    %swap3A_68 = vector.shape_cast %broadcast_in_dim3A_3 : vector<16xf32> to vector<1x16xf32>
    tpu.vector_store %arg7[%swap3A_64, %swap3A_65], %swap3A_68 {strides = array<i32>} : memref<32x64xf32, #tpu.memory_space<vmem>>, vector<1x16xf32>,
    %swap3A_69 = arith.constant 2 : i32
    %swap3A_70 = arith.index_cast %swap3A_69 : i32 to index
    %swap3A_71 = arith.constant 48 : index
    %swap3A_72 = tpu.vector_load %arg7[%swap3A_70, %swap3A_71] {strides = array<i32>} : memref<32x64xf32, #tpu.memory_space<vmem>>, vector<1x16xf32>,
    %swap3A_73 = vector.shape_cast %swap3A_72 : vector<1x16xf32> to vector<16xf32>
    %swap3A_74 = vector.shape_cast %broadcast_in_dim3A_3 : vector<16xf32> to vector<1x16xf32>
    tpu.vector_store %arg7[%swap3A_70, %swap3A_71], %swap3A_74 {strides = array<i32>} : memref<32x64xf32, #tpu.memory_space<vmem>>, vector<1x16xf32>,
    %swap3A_75 = arith.constant 3 : i32
    %swap3A_76 = arith.index_cast %swap3A_75 : i32 to index
    %swap3A_77 = arith.constant 0 : index
    %swap3A_78 = tpu.vector_load %arg7[%swap3A_76, %swap3A_77] {strides = array<i32>} : memref<32x64xf32, #tpu.memory_space<vmem>>, vector<1x16xf32>,
    %swap3A_79 = vector.shape_cast %swap3A_78 : vector<1x16xf32> to vector<16xf32>
    %swap3A_80 = vector.shape_cast %broadcast_in_dim3A_3 : vector<16xf32> to vector<1x16xf32>
    tpu.vector_store %arg7[%swap3A_76, %swap3A_77], %swap3A_80 {strides = array<i32>} : memref<32x64xf32, #tpu.memory_space<vmem>>, vector<1x16xf32>,
    %swap3A_81 = arith.constant 3 : i32
    %swap3A_82 = arith.index_cast %swap3A_81 : i32 to index
    %swap3A_83 = arith.constant 16 : index
    %swap3A_84 = tpu.vector_load %arg7[%swap3A_82, %swap3A_83] {strides = array<i32>} : memref<32x64xf32, #tpu.memory_space<vmem>>, vector<1x16xf32>,
    %swap3A_85 = vector.shape_cast %swap3A_84 : vector<1x16xf32> to vector<16xf32>
    %swap3A_86 = vector.shape_cast %broadcast_in_dim3A_3 : vector<16xf32> to vector<1x16xf32>
    tpu.vector_store %arg7[%swap3A_82, %swap3A_83], %swap3A_86 {strides = array<i32>} : memref<32x64xf32, #tpu.memory_space<vmem>>, vector<1x16xf32>,
    %swap3A_87 = arith.constant 3 : i32
    %swap3A_88 = arith.index_cast %swap3A_87 : i32 to index
    %swap3A_89 = arith.constant 32 : index
    %swap3A_90 = tpu.vector_load %arg7[%swap3A_88, %swap3A_89] {strides = array<i32>} : memref<32x64xf32, #tpu.memory_space<vmem>>, vector<1x16xf32>,
    %swap3A_91 = vector.shape_cast %swap3A_90 : vector<1x16xf32> to vector<16xf32>
    %swap3A_92 = vector.shape_cast %broadcast_in_dim3A_3 : vector<16xf32> to vector<1x16xf32>
    tpu.vector_store %arg7[%swap3A_88, %swap3A_89], %swap3A_92 {strides = array<i32>} : memref<32x64xf32, #tpu.memory_space<vmem>>, vector<1x16xf32>,
    %swap3A_93 = arith.constant 3 : i32
    %swap3A_94 = arith.index_cast %swap3A_93 : i32 to index
    %swap3A_95 = arith.constant 48 : index
    %swap3A_96 = tpu.vector_load %arg7[%swap3A_94, %swap3A_95] {strides = array<i32>} : memref<32x64xf32, #tpu.memory_space<vmem>>, vector<1x16xf32>,
    %swap3A_97 = vector.shape_cast %swap3A_96 : vector<1x16xf32> to vector<16xf32>
    %swap3A_98 = vector.shape_cast %broadcast_in_dim3A_3 : vector<16xf32> to vector<1x16xf32>
    tpu.vector_store %arg7[%swap3A_94, %swap3A_95], %swap3A_98 {strides = array<i32>} : memref<32x64xf32, #tpu.memory_space<vmem>>, vector<1x16xf32>,
    %swap3A_99 = arith.constant 4 : i32
    %swap3A_100 = arith.index_cast %swap3A_99 : i32 to index
    %swap3A_101 = arith.constant 0 : index
    %swap3A_102 = tpu.vector_load %arg7[%swap3A_100, %swap3A_101] {strides = array<i32>} : memref<32x64xf32, #tpu.memory_space<vmem>>, vector<1x16xf32>,
    %swap3A_103 = vector.shape_cast %swap3A_102 : vector<1x16xf32> to vector<16xf32>
    %swap3A_104 = vector.shape_cast %broadcast_in_dim3A_3 : vector<16xf32> to vector<1x16xf32>
    tpu.vector_store %arg7[%swap3A_100, %swap3A_101], %swap3A_104 {strides = array<i32>} : memref<32x64xf32, #tpu.memory_space<vmem>>, vector<1x16xf32>,
    %swap3A_105 = arith.constant 4 : i32
    %swap3A_106 = arith.index_cast %swap3A_105 : i32 to index
    %swap3A_107 = arith.constant 16 : index
    %swap3A_108 = tpu.vector_load %arg7[%swap3A_106, %swap3A_107] {strides = array<i32>} : memref<32x64xf32, #tpu.memory_space<vmem>>, vector<1x16xf32>,
    %swap3A_109 = vector.shape_cast %swap3A_108 : vector<1x16xf32> to vector<16xf32>
    %swap3A_110 = vector.shape_cast %broadcast_in_dim3A_3 : vector<16xf32> to vector<1x16xf32>
    tpu.vector_store %arg7[%swap3A_106, %swap3A_107], %swap3A_110 {strides = array<i32>} : memref<32x64xf32, #tpu.memory_space<vmem>>, vector<1x16xf32>,
    %swap3A_111 = arith.constant 4 : i32
    %swap3A_112 = arith.index_cast %swap3A_111 : i32 to index
    %swap3A_113 = arith.constant 32 : index
    %swap3A_114 = tpu.vector_load %arg7[%swap3A_112, %swap3A_113] {strides = array<i32>} : memref<32x64xf32, #tpu.memory_space<vmem>>, vector<1x16xf32>,
    %swap3A_115 = vector.shape_cast %swap3A_114 : vector<1x16xf32> to vector<16xf32>
    %swap3A_116 = vector.shape_cast %broadcast_in_dim3A_3 : vector<16xf32> to vector<1x16xf32>
    tpu.vector_store %arg7[%swap3A_112, %swap3A_113], %swap3A_116 {strides = array<i32>} : memref<32x64xf32, #tpu.memory_space<vmem>>, vector<1x16xf32>,
    %swap3A_117 = arith.constant 4 : i32
    %swap3A_118 = arith.index_cast %swap3A_117 : i32 to index
    %swap3A_119 = arith.constant 48 : index
    %swap3A_120 = tpu.vector_load %arg7[%swap3A_118, %swap3A_119] {strides = array<i32>} : memref<32x64xf32, #tpu.memory_space<vmem>>, vector<1x16xf32>,
    %swap3A_121 = vector.shape_cast %swap3A_120 : vector<1x16xf32> to vector<16xf32>
    %swap3A_122 = vector.shape_cast %broadcast_in_dim3A_3 : vector<16xf32> to vector<1x16xf32>
    tpu.vector_store %arg7[%swap3A_118, %swap3A_119], %swap3A_122 {strides = array<i32>} : memref<32x64xf32, #tpu.memory_space<vmem>>, vector<1x16xf32>,
    %swap3A_123 = arith.constant 5 : i32
    %swap3A_124 = arith.index_cast %swap3A_123 : i32 to index
    %swap3A_125 = arith.constant 0 : index
    %swap3A_126 = tpu.vector_load %arg7[%swap3A_124, %swap3A_125] {strides = array<i32>} : memref<32x64xf32, #tpu.memory_space<vmem>>, vector<1x16xf32>,
    %swap3A_127 = vector.shape_cast %swap3A_126 : vector<1x16xf32> to vector<16xf32>
    %swap3A_128 = vector.shape_cast %broadcast_in_dim3A_3 : vector<16xf32> to vector<1x16xf32>
    tpu.vector_store %arg7[%swap3A_124, %swap3A_125], %swap3A_128 {strides = array<i32>} : memref<32x64xf32, #tpu.memory_space<vmem>>, vector<1x16xf32>,
    %swap3A_129 = arith.constant 5 : i32
    %swap3A_130 = arith.index_cast %swap3A_129 : i32 to index
    %swap3A_131 = arith.constant 16 : index
    %swap3A_132 = tpu.vector_load %arg7[%swap3A_130, %swap3A_131] {strides = array<i32>} : memref<32x64xf32, #tpu.memory_space<vmem>>, vector<1x16xf32>,
    %swap3A_133 = vector.shape_cast %swap3A_132 : vector<1x16xf32> to vector<16xf32>
    %swap3A_134 = vector.shape_cast %broadcast_in_dim3A_3 : vector<16xf32> to vector<1x16xf32>
    tpu.vector_store %arg7[%swap3A_130, %swap3A_131], %swap3A_134 {strides = array<i32>} : memref<32x64xf32, #tpu.memory_space<vmem>>, vector<1x16xf32>,
    %swap3A_135 = arith.constant 5 : i32
    %swap3A_136 = arith.index_cast %swap3A_135 : i32 to index
    %swap3A_137 = arith.constant 32 : index
    %swap3A_138 = tpu.vector_load %arg7[%swap3A_136, %swap3A_137] {strides = array<i32>} : memref<32x64xf32, #tpu.memory_space<vmem>>, vector<1x16xf32>,
    %swap3A_139 = vector.shape_cast %swap3A_138 : vector<1x16xf32> to vector<16xf32>
    %swap3A_140 = vector.shape_cast %broadcast_in_dim3A_3 : vector<16xf32> to vector<1x16xf32>
    tpu.vector_store %arg7[%swap3A_136, %swap3A_137], %swap3A_140 {strides = array<i32>} : memref<32x64xf32, #tpu.memory_space<vmem>>, vector<1x16xf32>,
    %swap3A_141 = arith.constant 5 : i32
    %swap3A_142 = arith.index_cast %swap3A_141 : i32 to index
    %swap3A_143 = arith.constant 48 : index
    %swap3A_144 = tpu.vector_load %arg7[%swap3A_142, %swap3A_143] {strides = array<i32>} : memref<32x64xf32, #tpu.memory_space<vmem>>, vector<1x16xf32>,
    %swap3A_145 = vector.shape_cast %swap3A_144 : vector<1x16xf32> to vector<16xf32>
    %swap3A_146 = vector.shape_cast %broadcast_in_dim3A_3 : vector<16xf32> to vector<1x16xf32>
    tpu.vector_store %arg7[%swap3A_142, %swap3A_143], %swap3A_146 {strides = array<i32>} : memref<32x64xf32, #tpu.memory_space<vmem>>, vector<1x16xf32>,
    %swap3A_147 = arith.constant 6 : i32
    %swap3A_148 = arith.index_cast %swap3A_147 : i32 to index
    %swap3A_149 = arith.constant 0 : index
    %swap3A_150 = tpu.vector_load %arg7[%swap3A_148, %swap3A_149] {strides = array<i32>} : memref<32x64xf32, #tpu.memory_space<vmem>>, vector<1x16xf32>,
    %swap3A_151 = vector.shape_cast %swap3A_150 : vector<1x16xf32> to vector<16xf32>
    %swap3A_152 = vector.shape_cast %broadcast_in_dim3A_3 : vector<16xf32> to vector<1x16xf32>
    tpu.vector_store %arg7[%swap3A_148, %swap3A_149], %swap3A_152 {strides = array<i32>} : memref<32x64xf32, #tpu.memory_space<vmem>>, vector<1x16xf32>,
    %swap3A_153 = arith.constant 6 : i32
    %swap3A_154 = arith.index_cast %swap3A_153 : i32 to index
    %swap3A_155 = arith.constant 16 : index
    %swap3A_156 = tpu.vector_load %arg7[%swap3A_154, %swap3A_155] {strides = array<i32>} : memref<32x64xf32, #tpu.memory_space<vmem>>, vector<1x16xf32>,
    %swap3A_157 = vector.shape_cast %swap3A_156 : vector<1x16xf32> to vector<16xf32>
    %swap3A_158 = vector.shape_cast %broadcast_in_dim3A_3 : vector<16xf32> to vector<1x16xf32>
    tpu.vector_store %arg7[%swap3A_154, %swap3A_155], %swap3A_158 {strides = array<i32>} : memref<32x64xf32, #tpu.memory_space<vmem>>, vector<1x16xf32>,
    %swap3A_159 = arith.constant 6 : i32
    %swap3A_160 = arith.index_cast %swap3A_159 : i32 to index
    %swap3A_161 = arith.constant 32 : index
    %swap3A_162 = tpu.vector_load %arg7[%swap3A_160, %swap3A_161] {strides = array<i32>} : memref<32x64xf32, #tpu.memory_space<vmem>>, vector<1x16xf32>,
    %swap3A_163 = vector.shape_cast %swap3A_162 : vector<1x16xf32> to vector<16xf32>
    %swap3A_164 = vector.shape_cast %broadcast_in_dim3A_3 : vector<16xf32> to vector<1x16xf32>
    tpu.vector_store %arg7[%swap3A_160, %swap3A_161], %swap3A_164 {strides = array<i32>} : memref<32x64xf32, #tpu.memory_space<vmem>>, vector<1x16xf32>,
    %swap3A_165 = arith.constant 6 : i32
    %swap3A_166 = arith.index_cast %swap3A_165 : i32 to index
    %swap3A_167 = arith.constant 48 : index
    %swap3A_168 = tpu.vector_load %arg7[%swap3A_166, %swap3A_167] {strides = array<i32>} : memref<32x64xf32, #tpu.memory_space<vmem>>, vector<1x16xf32>,
    %swap3A_169 = vector.shape_cast %swap3A_168 : vector<1x16xf32> to vector<16xf32>
    %swap3A_170 = vector.shape_cast %broadcast_in_dim3A_3 : vector<16xf32> to vector<1x16xf32>
    tpu.vector_store %arg7[%swap3A_166, %swap3A_167], %swap3A_170 {strides = array<i32>} : memref<32x64xf32, #tpu.memory_space<vmem>>, vector<1x16xf32>,
    %swap3A_171 = arith.constant 7 : i32
    %swap3A_172 = arith.index_cast %swap3A_171 : i32 to index
    %swap3A_173 = arith.constant 0 : index
    %swap3A_174 = tpu.vector_load %arg7[%swap3A_172, %swap3A_173] {strides = array<i32>} : memref<32x64xf32, #tpu.memory_space<vmem>>, vector<1x16xf32>,
    %swap3A_175 = vector.shape_cast %swap3A_174 : vector<1x16xf32> to vector<16xf32>
    %swap3A_176 = vector.shape_cast %broadcast_in_dim3A_3 : vector<16xf32> to vector<1x16xf32>
    tpu.vector_store %arg7[%swap3A_172, %swap3A_173], %swap3A_176 {strides = array<i32>} : memref<32x64xf32, #tpu.memory_space<vmem>>, vector<1x16xf32>,
    %swap3A_177 = arith.constant 7 : i32
    %swap3A_178 = arith.index_cast %swap3A_177 : i32 to index
    %swap3A_179 = arith.constant 16 : index
    %swap3A_180 = tpu.vector_load %arg7[%swap3A_178, %swap3A_179] {strides = array<i32>} : memref<32x64xf32, #tpu.memory_space<vmem>>, vector<1x16xf32>,
    %swap3A_181 = vector.shape_cast %swap3A_180 : vector<1x16xf32> to vector<16xf32>
    %swap3A_182 = vector.shape_cast %broadcast_in_dim3A_3 : vector<16xf32> to vector<1x16xf32>
    tpu.vector_store %arg7[%swap3A_178, %swap3A_179], %swap3A_182 {strides = array<i32>} : memref<32x64xf32, #tpu.memory_space<vmem>>, vector<1x16xf32>,
    %swap3A_183 = arith.constant 7 : i32
    %swap3A_184 = arith.index_cast %swap3A_183 : i32 to index
    %swap3A_185 = arith.constant 32 : index
    %swap3A_186 = tpu.vector_load %arg7[%swap3A_184, %swap3A_185] {strides = array<i32>} : memref<32x64xf32, #tpu.memory_space<vmem>>, vector<1x16xf32>,
    %swap3A_187 = vector.shape_cast %swap3A_186 : vector<1x16xf32> to vector<16xf32>
    %swap3A_188 = vector.shape_cast %broadcast_in_dim3A_3 : vector<16xf32> to vector<1x16xf32>
    tpu.vector_store %arg7[%swap3A_184, %swap3A_185], %swap3A_188 {strides = array<i32>} : memref<32x64xf32, #tpu.memory_space<vmem>>, vector<1x16xf32>,
    %swap3A_189 = arith.constant 7 : i32
    %swap3A_190 = arith.index_cast %swap3A_189 : i32 to index
    %swap3A_191 = arith.constant 48 : index
    %swap3A_192 = tpu.vector_load %arg7[%swap3A_190, %swap3A_191] {strides = array<i32>} : memref<32x64xf32, #tpu.memory_space<vmem>>, vector<1x16xf32>,
    %swap3A_193 = vector.shape_cast %swap3A_192 : vector<1x16xf32> to vector<16xf32>
    %swap3A_194 = vector.shape_cast %broadcast_in_dim3A_3 : vector<16xf32> to vector<1x16xf32>
    tpu.vector_store %arg7[%swap3A_190, %swap3A_191], %swap3A_194 {strides = array<i32>} : memref<32x64xf32, #tpu.memory_space<vmem>>, vector<1x16xf32>,
    %swap3A_195 = arith.constant 8 : i32
    %swap3A_196 = arith.index_cast %swap3A_195 : i32 to index
    %swap3A_197 = arith.constant 0 : index
    %swap3A_198 = tpu.vector_load %arg7[%swap3A_196, %swap3A_197] {strides = array<i32>} : memref<32x64xf32, #tpu.memory_space<vmem>>, vector<1x16xf32>,
    %swap3A_199 = vector.shape_cast %swap3A_198 : vector<1x16xf32> to vector<16xf32>
    %swap3A_200 = vector.shape_cast %broadcast_in_dim3A_3 : vector<16xf32> to vector<1x16xf32>
    tpu.vector_store %arg7[%swap3A_196, %swap3A_197], %swap3A_200 {strides = array<i32>} : memref<32x64xf32, #tpu.memory_space<vmem>>, vector<1x16xf32>,
    %swap3A_201 = arith.constant 8 : i32
    %swap3A_202 = arith.index_cast %swap3A_201 : i32 to index
    %swap3A_203 = arith.constant 16 : index
    %swap3A_204 = tpu.vector_load %arg7[%swap3A_202, %swap3A_203] {strides = array<i32>} : memref<32x64xf32, #tpu.memory_space<vmem>>, vector<1x16xf32>,
    %swap3A_205 = vector.shape_cast %swap3A_204 : vector<1x16xf32> to vector<16xf32>
    %swap3A_206 = vector.shape_cast %broadcast_in_dim3A_3 : vector<16xf32> to vector<1x16xf32>
    tpu.vector_store %arg7[%swap3A_202, %swap3A_203], %swap3A_206 {strides = array<i32>} : memref<32x64xf32, #tpu.memory_space<vmem>>, vector<1x16xf32>,
    %swap3A_207 = arith.constant 8 : i32
    %swap3A_208 = arith.index_cast %swap3A_207 : i32 to index
    %swap3A_209 = arith.constant 32 : index
    %swap3A_210 = tpu.vector_load %arg7[%swap3A_208, %swap3A_209] {strides = array<i32>} : memref<32x64xf32, #tpu.memory_space<vmem>>, vector<1x16xf32>,
    %swap3A_211 = vector.shape_cast %swap3A_210 : vector<1x16xf32> to vector<16xf32>
    %swap3A_212 = vector.shape_cast %broadcast_in_dim3A_3 : vector<16xf32> to vector<1x16xf32>
    tpu.vector_store %arg7[%swap3A_208, %swap3A_209], %swap3A_212 {strides = array<i32>} : memref<32x64xf32, #tpu.memory_space<vmem>>, vector<1x16xf32>,
    %swap3A_213 = arith.constant 8 : i32
    %swap3A_214 = arith.index_cast %swap3A_213 : i32 to index
    %swap3A_215 = arith.constant 48 : index
    %swap3A_216 = tpu.vector_load %arg7[%swap3A_214, %swap3A_215] {strides = array<i32>} : memref<32x64xf32, #tpu.memory_space<vmem>>, vector<1x16xf32>,
    %swap3A_217 = vector.shape_cast %swap3A_216 : vector<1x16xf32> to vector<16xf32>
    %swap3A_218 = vector.shape_cast %broadcast_in_dim3A_3 : vector<16xf32> to vector<1x16xf32>
    tpu.vector_store %arg7[%swap3A_214, %swap3A_215], %swap3A_218 {strides = array<i32>} : memref<32x64xf32, #tpu.memory_space<vmem>>, vector<1x16xf32>,
    %swap3A_219 = arith.constant 9 : i32
    %swap3A_220 = arith.index_cast %swap3A_219 : i32 to index
    %swap3A_221 = arith.constant 0 : index
    %swap3A_222 = tpu.vector_load %arg7[%swap3A_220, %swap3A_221] {strides = array<i32>} : memref<32x64xf32, #tpu.memory_space<vmem>>, vector<1x16xf32>,
    %swap3A_223 = vector.shape_cast %swap3A_222 : vector<1x16xf32> to vector<16xf32>
    %swap3A_224 = vector.shape_cast %broadcast_in_dim3A_3 : vector<16xf32> to vector<1x16xf32>
    tpu.vector_store %arg7[%swap3A_220, %swap3A_221], %swap3A_224 {strides = array<i32>} : memref<32x64xf32, #tpu.memory_space<vmem>>, vector<1x16xf32>,
    %swap3A_225 = arith.constant 9 : i32
    %swap3A_226 = arith.index_cast %swap3A_225 : i32 to index
    %swap3A_227 = arith.constant 16 : index
    %swap3A_228 = tpu.vector_load %arg7[%swap3A_226, %swap3A_227] {strides = array<i32>} : memref<32x64xf32, #tpu.memory_space<vmem>>, vector<1x16xf32>,
    %swap3A_229 = vector.shape_cast %swap3A_228 : vector<1x16xf32> to vector<16xf32>
    %swap3A_230 = vector.shape_cast %broadcast_in_dim3A_3 : vector<16xf32> to vector<1x16xf32>
    tpu.vector_store %arg7[%swap3A_226, %swap3A_227], %swap3A_230 {strides = array<i32>} : memref<32x64xf32, #tpu.memory_space<vmem>>, vector<1x16xf32>,
    %swap3A_231 = arith.constant 9 : i32
    %swap3A_232 = arith.index_cast %swap3A_231 : i32 to index
    %swap3A_233 = arith.constant 32 : index
    %swap3A_234 = tpu.vector_load %arg7[%swap3A_232, %swap3A_233] {strides = array<i32>} : memref<32x64xf32, #tpu.memory_space<vmem>>, vector<1x16xf32>,
    %swap3A_235 = vector.shape_cast %swap3A_234 : vector<1x16xf32> to vector<16xf32>
    %swap3A_236 = vector.shape_cast %broadcast_in_dim3A_3 : vector<16xf32> to vector<1x16xf32>
    tpu.vector_store %arg7[%swap3A_232, %swap3A_233], %swap3A_236 {strides = array<i32>} : memref<32x64xf32, #tpu.memory_space<vmem>>, vector<1x16xf32>,
    %swap3A_237 = arith.constant 9 : i32
    %swap3A_238 = arith.index_cast %swap3A_237 : i32 to index
    %swap3A_239 = arith.constant 48 : index
    %swap3A_240 = tpu.vector_load %arg7[%swap3A_238, %swap3A_239] {strides = array<i32>} : memref<32x64xf32, #tpu.memory_space<vmem>>, vector<1x16xf32>,
    %swap3A_241 = vector.shape_cast %swap3A_240 : vector<1x16xf32> to vector<16xf32>
    %swap3A_242 = vector.shape_cast %broadcast_in_dim3A_3 : vector<16xf32> to vector<1x16xf32>
    tpu.vector_store %arg7[%swap3A_238, %swap3A_239], %swap3A_242 {strides = array<i32>} : memref<32x64xf32, #tpu.memory_space<vmem>>, vector<1x16xf32>,
    %swap3A_243 = arith.constant 10 : i32
    %swap3A_244 = arith.index_cast %swap3A_243 : i32 to index
    %swap3A_245 = arith.constant 0 : index
    %swap3A_246 = tpu.vector_load %arg7[%swap3A_244, %swap3A_245] {strides = array<i32>} : memref<32x64xf32, #tpu.memory_space<vmem>>, vector<1x16xf32>,
    %swap3A_247 = vector.shape_cast %swap3A_246 : vector<1x16xf32> to vector<16xf32>
    %swap3A_248 = vector.shape_cast %broadcast_in_dim3A_3 : vector<16xf32> to vector<1x16xf32>
    tpu.vector_store %arg7[%swap3A_244, %swap3A_245], %swap3A_248 {strides = array<i32>} : memref<32x64xf32, #tpu.memory_space<vmem>>, vector<1x16xf32>,
    %swap3A_249 = arith.constant 10 : i32
    %swap3A_250 = arith.index_cast %swap3A_249 : i32 to index
    %swap3A_251 = arith.constant 16 : index
    %swap3A_252 = tpu.vector_load %arg7[%swap3A_250, %swap3A_251] {strides = array<i32>} : memref<32x64xf32, #tpu.memory_space<vmem>>, vector<1x16xf32>,
    %swap3A_253 = vector.shape_cast %swap3A_252 : vector<1x16xf32> to vector<16xf32>
    %swap3A_254 = vector.shape_cast %broadcast_in_dim3A_3 : vector<16xf32> to vector<1x16xf32>
    tpu.vector_store %arg7[%swap3A_250, %swap3A_251], %swap3A_254 {strides = array<i32>} : memref<32x64xf32, #tpu.memory_space<vmem>>, vector<1x16xf32>,
    %swap3A_255 = arith.constant 10 : i32
    %swap3A_256 = arith.index_cast %swap3A_255 : i32 to index
    %swap3A_257 = arith.constant 32 : index
    %swap3A_258 = tpu.vector_load %arg7[%swap3A_256, %swap3A_257] {strides = array<i32>} : memref<32x64xf32, #tpu.memory_space<vmem>>, vector<1x16xf32>,
    %swap3A_259 = vector.shape_cast %swap3A_258 : vector<1x16xf32> to vector<16xf32>
    %swap3A_260 = vector.shape_cast %broadcast_in_dim3A_3 : vector<16xf32> to vector<1x16xf32>
    tpu.vector_store %arg7[%swap3A_256, %swap3A_257], %swap3A_260 {strides = array<i32>} : memref<32x64xf32, #tpu.memory_space<vmem>>, vector<1x16xf32>,
    %swap3A_261 = arith.constant 10 : i32
    %swap3A_262 = arith.index_cast %swap3A_261 : i32 to index
    %swap3A_263 = arith.constant 48 : index
    %swap3A_264 = tpu.vector_load %arg7[%swap3A_262, %swap3A_263] {strides = array<i32>} : memref<32x64xf32, #tpu.memory_space<vmem>>, vector<1x16xf32>,
    %swap3A_265 = vector.shape_cast %swap3A_264 : vector<1x16xf32> to vector<16xf32>
    %swap3A_266 = vector.shape_cast %broadcast_in_dim3A_3 : vector<16xf32> to vector<1x16xf32>
    tpu.vector_store %arg7[%swap3A_262, %swap3A_263], %swap3A_266 {strides = array<i32>} : memref<32x64xf32, #tpu.memory_space<vmem>>, vector<1x16xf32>,
    %swap3A_267 = arith.constant 11 : i32
    %swap3A_268 = arith.index_cast %swap3A_267 : i32 to index
    %swap3A_269 = arith.constant 0 : index
    %swap3A_270 = tpu.vector_load %arg7[%swap3A_268, %swap3A_269] {strides = array<i32>} : memref<32x64xf32, #tpu.memory_space<vmem>>, vector<1x16xf32>,
    %swap3A_271 = vector.shape_cast %swap3A_270 : vector<1x16xf32> to vector<16xf32>
    %swap3A_272 = vector.shape_cast %broadcast_in_dim3A_3 : vector<16xf32> to vector<1x16xf32>
    tpu.vector_store %arg7[%swap3A_268, %swap3A_269], %swap3A_272 {strides = array<i32>} : memref<32x64xf32, #tpu.memory_space<vmem>>, vector<1x16xf32>,
    %swap3A_273 = arith.constant 11 : i32
    %swap3A_274 = arith.index_cast %swap3A_273 : i32 to index
    %swap3A_275 = arith.constant 16 : index
    %swap3A_276 = tpu.vector_load %arg7[%swap3A_274, %swap3A_275] {strides = array<i32>} : memref<32x64xf32, #tpu.memory_space<vmem>>, vector<1x16xf32>,
    %swap3A_277 = vector.shape_cast %swap3A_276 : vector<1x16xf32> to vector<16xf32>
    %swap3A_278 = vector.shape_cast %broadcast_in_dim3A_3 : vector<16xf32> to vector<1x16xf32>
    tpu.vector_store %arg7[%swap3A_274, %swap3A_275], %swap3A_278 {strides = array<i32>} : memref<32x64xf32, #tpu.memory_space<vmem>>, vector<1x16xf32>,
    %swap3A_279 = arith.constant 11 : i32
    %swap3A_280 = arith.index_cast %swap3A_279 : i32 to index
    %swap3A_281 = arith.constant 32 : index
    %swap3A_282 = tpu.vector_load %arg7[%swap3A_280, %swap3A_281] {strides = array<i32>} : memref<32x64xf32, #tpu.memory_space<vmem>>, vector<1x16xf32>,
    %swap3A_283 = vector.shape_cast %swap3A_282 : vector<1x16xf32> to vector<16xf32>
    %swap3A_284 = vector.shape_cast %broadcast_in_dim3A_3 : vector<16xf32> to vector<1x16xf32>
    tpu.vector_store %arg7[%swap3A_280, %swap3A_281], %swap3A_284 {strides = array<i32>} : memref<32x64xf32, #tpu.memory_space<vmem>>, vector<1x16xf32>,
    %swap3A_285 = arith.constant 11 : i32
    %swap3A_286 = arith.index_cast %swap3A_285 : i32 to index
    %swap3A_287 = arith.constant 48 : index
    %swap3A_288 = tpu.vector_load %arg7[%swap3A_286, %swap3A_287] {strides = array<i32>} : memref<32x64xf32, #tpu.memory_space<vmem>>, vector<1x16xf32>,
    %swap3A_289 = vector.shape_cast %swap3A_288 : vector<1x16xf32> to vector<16xf32>
    %swap3A_290 = vector.shape_cast %broadcast_in_dim3A_3 : vector<16xf32> to vector<1x16xf32>
    tpu.vector_store %arg7[%swap3A_286, %swap3A_287], %swap3A_290 {strides = array<i32>} : memref<32x64xf32, #tpu.memory_space<vmem>>, vector<1x16xf32>,
    %swap3A_291 = arith.constant 12 : i32
    %swap3A_292 = arith.index_cast %swap3A_291 : i32 to index
    %swap3A_293 = arith.constant 0 : index
    %swap3A_294 = tpu.vector_load %arg7[%swap3A_292, %swap3A_293] {strides = array<i32>} : memref<32x64xf32, #tpu.memory_space<vmem>>, vector<1x16xf32>,
    %swap3A_295 = vector.shape_cast %swap3A_294 : vector<1x16xf32> to vector<16xf32>
    %swap3A_296 = vector.shape_cast %broadcast_in_dim3A_3 : vector<16xf32> to vector<1x16xf32>
    tpu.vector_store %arg7[%swap3A_292, %swap3A_293], %swap3A_296 {strides = array<i32>} : memref<32x64xf32, #tpu.memory_space<vmem>>, vector<1x16xf32>,
    %swap3A_297 = arith.constant 12 : i32
    %swap3A_298 = arith.index_cast %swap3A_297 : i32 to index
    %swap3A_299 = arith.constant 16 : index
    %swap3A_300 = tpu.vector_load %arg7[%swap3A_298, %swap3A_299] {strides = array<i32>} : memref<32x64xf32, #tpu.memory_space<vmem>>, vector<1x16xf32>,
    %swap3A_301 = vector.shape_cast %swap3A_300 : vector<1x16xf32> to vector<16xf32>
    %swap3A_302 = vector.shape_cast %broadcast_in_dim3A_3 : vector<16xf32> to vector<1x16xf32>
    tpu.vector_store %arg7[%swap3A_298, %swap3A_299], %swap3A_302 {strides = array<i32>} : memref<32x64xf32, #tpu.memory_space<vmem>>, vector<1x16xf32>,
    %swap3A_303 = arith.constant 12 : i32
    %swap3A_304 = arith.index_cast %swap3A_303 : i32 to index
    %swap3A_305 = arith.constant 32 : index
    %swap3A_306 = tpu.vector_load %arg7[%swap3A_304, %swap3A_305] {strides = array<i32>} : memref<32x64xf32, #tpu.memory_space<vmem>>, vector<1x16xf32>,
    %swap3A_307 = vector.shape_cast %swap3A_306 : vector<1x16xf32> to vector<16xf32>
    %swap3A_308 = vector.shape_cast %broadcast_in_dim3A_3 : vector<16xf32> to vector<1x16xf32>
    tpu.vector_store %arg7[%swap3A_304, %swap3A_305], %swap3A_308 {strides = array<i32>} : memref<32x64xf32, #tpu.memory_space<vmem>>, vector<1x16xf32>,
    %swap3A_309 = arith.constant 12 : i32
    %swap3A_310 = arith.index_cast %swap3A_309 : i32 to index
    %swap3A_311 = arith.constant 48 : index
    %swap3A_312 = tpu.vector_load %arg7[%swap3A_310, %swap3A_311] {strides = array<i32>} : memref<32x64xf32, #tpu.memory_space<vmem>>, vector<1x16xf32>,
    %swap3A_313 = vector.shape_cast %swap3A_312 : vector<1x16xf32> to vector<16xf32>
    %swap3A_314 = vector.shape_cast %broadcast_in_dim3A_3 : vector<16xf32> to vector<1x16xf32>
    tpu.vector_store %arg7[%swap3A_310, %swap3A_311], %swap3A_314 {strides = array<i32>} : memref<32x64xf32, #tpu.memory_space<vmem>>, vector<1x16xf32>,
    %swap3A_315 = arith.constant 13 : i32
    %swap3A_316 = arith.index_cast %swap3A_315 : i32 to index
    %swap3A_317 = arith.constant 0 : index
    %swap3A_318 = tpu.vector_load %arg7[%swap3A_316, %swap3A_317] {strides = array<i32>} : memref<32x64xf32, #tpu.memory_space<vmem>>, vector<1x16xf32>,
    %swap3A_319 = vector.shape_cast %swap3A_318 : vector<1x16xf32> to vector<16xf32>
    %swap3A_320 = vector.shape_cast %broadcast_in_dim3A_3 : vector<16xf32> to vector<1x16xf32>
    tpu.vector_store %arg7[%swap3A_316, %swap3A_317], %swap3A_320 {strides = array<i32>} : memref<32x64xf32, #tpu.memory_space<vmem>>, vector<1x16xf32>,
    %swap3A_321 = arith.constant 13 : i32
    %swap3A_322 = arith.index_cast %swap3A_321 : i32 to index
    %swap3A_323 = arith.constant 16 : index
    %swap3A_324 = tpu.vector_load %arg7[%swap3A_322, %swap3A_323] {strides = array<i32>} : memref<32x64xf32, #tpu.memory_space<vmem>>, vector<1x16xf32>,
    %swap3A_325 = vector.shape_cast %swap3A_324 : vector<1x16xf32> to vector<16xf32>
    %swap3A_326 = vector.shape_cast %broadcast_in_dim3A_3 : vector<16xf32> to vector<1x16xf32>
    tpu.vector_store %arg7[%swap3A_322, %swap3A_323], %swap3A_326 {strides = array<i32>} : memref<32x64xf32, #tpu.memory_space<vmem>>, vector<1x16xf32>,
    %swap3A_327 = arith.constant 13 : i32
    %swap3A_328 = arith.index_cast %swap3A_327 : i32 to index
    %swap3A_329 = arith.constant 32 : index
    %swap3A_330 = tpu.vector_load %arg7[%swap3A_328, %swap3A_329] {strides = array<i32>} : memref<32x64xf32, #tpu.memory_space<vmem>>, vector<1x16xf32>,
    %swap3A_331 = vector.shape_cast %swap3A_330 : vector<1x16xf32> to vector<16xf32>
    %swap3A_332 = vector.shape_cast %broadcast_in_dim3A_3 : vector<16xf32> to vector<1x16xf32>
    tpu.vector_store %arg7[%swap3A_328, %swap3A_329], %swap3A_332 {strides = array<i32>} : memref<32x64xf32, #tpu.memory_space<vmem>>, vector<1x16xf32>,
    %swap3A_333 = arith.constant 13 : i32
    %swap3A_334 = arith.index_cast %swap3A_333 : i32 to index
    %swap3A_335 = arith.constant 48 : index
    %swap3A_336 = tpu.vector_load %arg7[%swap3A_334, %swap3A_335] {strides = array<i32>} : memref<32x64xf32, #tpu.memory_space<vmem>>, vector<1x16xf32>,
    %swap3A_337 = vector.shape_cast %swap3A_336 : vector<1x16xf32> to vector<16xf32>
    %swap3A_338 = vector.shape_cast %broadcast_in_dim3A_3 : vector<16xf32> to vector<1x16xf32>
    tpu.vector_store %arg7[%swap3A_334, %swap3A_335], %swap3A_338 {strides = array<i32>} : memref<32x64xf32, #tpu.memory_space<vmem>>, vector<1x16xf32>,
    %swap3A_339 = arith.constant 14 : i32
    %swap3A_340 = arith.index_cast %swap3A_339 : i32 to index
    %swap3A_341 = arith.constant 0 : index
    %swap3A_342 = tpu.vector_load %arg7[%swap3A_340, %swap3A_341] {strides = array<i32>} : memref<32x64xf32, #tpu.memory_space<vmem>>, vector<1x16xf32>,
    %swap3A_343 = vector.shape_cast %swap3A_342 : vector<1x16xf32> to vector<16xf32>
    %swap3A_344 = vector.shape_cast %broadcast_in_dim3A_3 : vector<16xf32> to vector<1x16xf32>
    tpu.vector_store %arg7[%swap3A_340, %swap3A_341], %swap3A_344 {strides = array<i32>} : memref<32x64xf32, #tpu.memory_space<vmem>>, vector<1x16xf32>,
    %swap3A_345 = arith.constant 14 : i32
    %swap3A_346 = arith.index_cast %swap3A_345 : i32 to index
    %swap3A_347 = arith.constant 16 : index
    %swap3A_348 = tpu.vector_load %arg7[%swap3A_346, %swap3A_347] {strides = array<i32>} : memref<32x64xf32, #tpu.memory_space<vmem>>, vector<1x16xf32>,
    %swap3A_349 = vector.shape_cast %swap3A_348 : vector<1x16xf32> to vector<16xf32>
    %swap3A_350 = vector.shape_cast %broadcast_in_dim3A_3 : vector<16xf32> to vector<1x16xf32>
    tpu.vector_store %arg7[%swap3A_346, %swap3A_347], %swap3A_350 {strides = array<i32>} : memref<32x64xf32, #tpu.memory_space<vmem>>, vector<1x16xf32>,
    %swap3A_351 = arith.constant 14 : i32
    %swap3A_352 = arith.index_cast %swap3A_351 : i32 to index
    %swap3A_353 = arith.constant 32 : index
    %swap3A_354 = tpu.vector_load %arg7[%swap3A_352, %swap3A_353] {strides = array<i32>} : memref<32x64xf32, #tpu.memory_space<vmem>>, vector<1x16xf32>,
    %swap3A_355 = vector.shape_cast %swap3A_354 : vector<1x16xf32> to vector<16xf32>
    %swap3A_356 = vector.shape_cast %broadcast_in_dim3A_3 : vector<16xf32> to vector<1x16xf32>
    tpu.vector_store %arg7[%swap3A_352, %swap3A_353], %swap3A_356 {strides = array<i32>} : memref<32x64xf32, #tpu.memory_space<vmem>>, vector<1x16xf32>,
    %swap3A_357 = arith.constant 14 : i32
    %swap3A_358 = arith.index_cast %swap3A_357 : i32 to index
    %swap3A_359 = arith.constant 48 : index
    %swap3A_360 = tpu.vector_load %arg7[%swap3A_358, %swap3A_359] {strides = array<i32>} : memref<32x64xf32, #tpu.memory_space<vmem>>, vector<1x16xf32>,
    %swap3A_361 = vector.shape_cast %swap3A_360 : vector<1x16xf32> to vector<16xf32>
    %swap3A_362 = vector.shape_cast %broadcast_in_dim3A_3 : vector<16xf32> to vector<1x16xf32>
    tpu.vector_store %arg7[%swap3A_358, %swap3A_359], %swap3A_362 {strides = array<i32>} : memref<32x64xf32, #tpu.memory_space<vmem>>, vector<1x16xf32>,
    %swap3A_363 = arith.constant 15 : i32
    %swap3A_364 = arith.index_cast %swap3A_363 : i32 to index
    %swap3A_365 = arith.constant 0 : index
    %swap3A_366 = tpu.vector_load %arg7[%swap3A_364, %swap3A_365] {strides = array<i32>} : memref<32x64xf32, #tpu.memory_space<vmem>>, vector<1x16xf32>,
    %swap3A_367 = vector.shape_cast %swap3A_366 : vector<1x16xf32> to vector<16xf32>
    %swap3A_368 = vector.shape_cast %broadcast_in_dim3A_3 : vector<16xf32> to vector<1x16xf32>
    tpu.vector_store %arg7[%swap3A_364, %swap3A_365], %swap3A_368 {strides = array<i32>} : memref<32x64xf32, #tpu.memory_space<vmem>>, vector<1x16xf32>,
    %swap3A_369 = arith.constant 15 : i32
    %swap3A_370 = arith.index_cast %swap3A_369 : i32 to index
    %swap3A_371 = arith.constant 16 : index
    %swap3A_372 = tpu.vector_load %arg7[%swap3A_370, %swap3A_371] {strides = array<i32>} : memref<32x64xf32, #tpu.memory_space<vmem>>, vector<1x16xf32>,
    %swap3A_373 = vector.shape_cast %swap3A_372 : vector<1x16xf32> to vector<16xf32>
    %swap3A_374 = vector.shape_cast %broadcast_in_dim3A_3 : vector<16xf32> to vector<1x16xf32>
    tpu.vector_store %arg7[%swap3A_370, %swap3A_371], %swap3A_374 {strides = array<i32>} : memref<32x64xf32, #tpu.memory_space<vmem>>, vector<1x16xf32>,
    %swap3A_375 = arith.constant 15 : i32
    %swap3A_376 = arith.index_cast %swap3A_375 : i32 to index
    %swap3A_377 = arith.constant 32 : index
    %swap3A_378 = tpu.vector_load %arg7[%swap3A_376, %swap3A_377] {strides = array<i32>} : memref<32x64xf32, #tpu.memory_space<vmem>>, vector<1x16xf32>,
    %swap3A_379 = vector.shape_cast %swap3A_378 : vector<1x16xf32> to vector<16xf32>
    %swap3A_380 = vector.shape_cast %broadcast_in_dim3A_3 : vector<16xf32> to vector<1x16xf32>
    tpu.vector_store %arg7[%swap3A_376, %swap3A_377], %swap3A_380 {strides = array<i32>} : memref<32x64xf32, #tpu.memory_space<vmem>>, vector<1x16xf32>,
    %swap3A_381 = arith.constant 15 : i32
    %swap3A_382 = arith.index_cast %swap3A_381 : i32 to index
    %swap3A_383 = arith.constant 48 : index
    %swap3A_384 = tpu.vector_load %arg7[%swap3A_382, %swap3A_383] {strides = array<i32>} : memref<32x64xf32, #tpu.memory_space<vmem>>, vector<1x16xf32>,
    %swap3A_385 = vector.shape_cast %swap3A_384 : vector<1x16xf32> to vector<16xf32>
    %swap3A_386 = vector.shape_cast %broadcast_in_dim3A_3 : vector<16xf32> to vector<1x16xf32>
    tpu.vector_store %arg7[%swap3A_382, %swap3A_383], %swap3A_386 {strides = array<i32>} : memref<32x64xf32, #tpu.memory_space<vmem>>, vector<1x16xf32>,
    %swap3A_387 = arith.constant 16 : i32
    %swap3A_388 = arith.index_cast %swap3A_387 : i32 to index
    %swap3A_389 = arith.constant 0 : index
    %swap3A_390 = tpu.vector_load %arg7[%swap3A_388, %swap3A_389] {strides = array<i32>} : memref<32x64xf32, #tpu.memory_space<vmem>>, vector<1x16xf32>,
    %swap3A_391 = vector.shape_cast %swap3A_390 : vector<1x16xf32> to vector<16xf32>
    %swap3A_392 = vector.shape_cast %broadcast_in_dim3A_3 : vector<16xf32> to vector<1x16xf32>
    tpu.vector_store %arg7[%swap3A_388, %swap3A_389], %swap3A_392 {strides = array<i32>} : memref<32x64xf32, #tpu.memory_space<vmem>>, vector<1x16xf32>,
    %swap3A_393 = arith.constant 16 : i32
    %swap3A_394 = arith.index_cast %swap3A_393 : i32 to index
    %swap3A_395 = arith.constant 16 : index
    %swap3A_396 = tpu.vector_load %arg7[%swap3A_394, %swap3A_395] {strides = array<i32>} : memref<32x64xf32, #tpu.memory_space<vmem>>, vector<1x16xf32>,
    %swap3A_397 = vector.shape_cast %swap3A_396 : vector<1x16xf32> to vector<16xf32>
    %swap3A_398 = vector.shape_cast %broadcast_in_dim3A_3 : vector<16xf32> to vector<1x16xf32>
    tpu.vector_store %arg7[%swap3A_394, %swap3A_395], %swap3A_398 {strides = array<i32>} : memref<32x64xf32, #tpu.memory_space<vmem>>, vector<1x16xf32>,
    %swap3A_399 = arith.constant 16 : i32
    %swap3A_400 = arith.index_cast %swap3A_399 : i32 to index
    %swap3A_401 = arith.constant 32 : index
    %swap3A_402 = tpu.vector_load %arg7[%swap3A_400, %swap3A_401] {strides = array<i32>} : memref<32x64xf32, #tpu.memory_space<vmem>>, vector<1x16xf32>,
    %swap3A_403 = vector.shape_cast %swap3A_402 : vector<1x16xf32> to vector<16xf32>
    %swap3A_404 = vector.shape_cast %broadcast_in_dim3A_3 : vector<16xf32> to vector<1x16xf32>
    tpu.vector_store %arg7[%swap3A_400, %swap3A_401], %swap3A_404 {strides = array<i32>} : memref<32x64xf32, #tpu.memory_space<vmem>>, vector<1x16xf32>,
    %swap3A_405 = arith.constant 16 : i32
    %swap3A_406 = arith.index_cast %swap3A_405 : i32 to index
    %swap3A_407 = arith.constant 48 : index
    %swap3A_408 = tpu.vector_load %arg7[%swap3A_406, %swap3A_407] {strides = array<i32>} : memref<32x64xf32, #tpu.memory_space<vmem>>, vector<1x16xf32>,
    %swap3A_409 = vector.shape_cast %swap3A_408 : vector<1x16xf32> to vector<16xf32>
    %swap3A_410 = vector.shape_cast %broadcast_in_dim3A_3 : vector<16xf32> to vector<1x16xf32>
    tpu.vector_store %arg7[%swap3A_406, %swap3A_407], %swap3A_410 {strides = array<i32>} : memref<32x64xf32, #tpu.memory_space<vmem>>, vector<1x16xf32>,
    %swap3A_411 = arith.constant 17 : i32
    %swap3A_412 = arith.index_cast %swap3A_411 : i32 to index
    %swap3A_413 = arith.constant 0 : index
    %swap3A_414 = tpu.vector_load %arg7[%swap3A_412, %swap3A_413] {strides = array<i32>} : memref<32x64xf32, #tpu.memory_space<vmem>>, vector<1x16xf32>,
    %swap3A_415 = vector.shape_cast %swap3A_414 : vector<1x16xf32> to vector<16xf32>
    %swap3A_416 = vector.shape_cast %broadcast_in_dim3A_3 : vector<16xf32> to vector<1x16xf32>
    tpu.vector_store %arg7[%swap3A_412, %swap3A_413], %swap3A_416 {strides = array<i32>} : memref<32x64xf32, #tpu.memory_space<vmem>>, vector<1x16xf32>,
    %swap3A_417 = arith.constant 17 : i32
    %swap3A_418 = arith.index_cast %swap3A_417 : i32 to index
    %swap3A_419 = arith.constant 16 : index
    %swap3A_420 = tpu.vector_load %arg7[%swap3A_418, %swap3A_419] {strides = array<i32>} : memref<32x64xf32, #tpu.memory_space<vmem>>, vector<1x16xf32>,
    %swap3A_421 = vector.shape_cast %swap3A_420 : vector<1x16xf32> to vector<16xf32>
    %swap3A_422 = vector.shape_cast %broadcast_in_dim3A_3 : vector<16xf32> to vector<1x16xf32>
    tpu.vector_store %arg7[%swap3A_418, %swap3A_419], %swap3A_422 {strides = array<i32>} : memref<32x64xf32, #tpu.memory_space<vmem>>, vector<1x16xf32>,
    %swap3A_423 = arith.constant 17 : i32
    %swap3A_424 = arith.index_cast %swap3A_423 : i32 to index
    %swap3A_425 = arith.constant 32 : index
    %swap3A_426 = tpu.vector_load %arg7[%swap3A_424, %swap3A_425] {strides = array<i32>} : memref<32x64xf32, #tpu.memory_space<vmem>>, vector<1x16xf32>,
    %swap3A_427 = vector.shape_cast %swap3A_426 : vector<1x16xf32> to vector<16xf32>
    %swap3A_428 = vector.shape_cast %broadcast_in_dim3A_3 : vector<16xf32> to vector<1x16xf32>
    tpu.vector_store %arg7[%swap3A_424, %swap3A_425], %swap3A_428 {strides = array<i32>} : memref<32x64xf32, #tpu.memory_space<vmem>>, vector<1x16xf32>,
    %swap3A_429 = arith.constant 17 : i32
    %swap3A_430 = arith.index_cast %swap3A_429 : i32 to index
    %swap3A_431 = arith.constant 48 : index
    %swap3A_432 = tpu.vector_load %arg7[%swap3A_430, %swap3A_431] {strides = array<i32>} : memref<32x64xf32, #tpu.memory_space<vmem>>, vector<1x16xf32>,
    %swap3A_433 = vector.shape_cast %swap3A_432 : vector<1x16xf32> to vector<16xf32>
    %swap3A_434 = vector.shape_cast %broadcast_in_dim3A_3 : vector<16xf32> to vector<1x16xf32>
    tpu.vector_store %arg7[%swap3A_430, %swap3A_431], %swap3A_434 {strides = array<i32>} : memref<32x64xf32, #tpu.memory_space<vmem>>, vector<1x16xf32>,
    %swap3A_435 = arith.constant 18 : i32
    %swap3A_436 = arith.index_cast %swap3A_435 : i32 to index
    %swap3A_437 = arith.constant 0 : index
    %swap3A_438 = tpu.vector_load %arg7[%swap3A_436, %swap3A_437] {strides = array<i32>} : memref<32x64xf32, #tpu.memory_space<vmem>>, vector<1x16xf32>,
    %swap3A_439 = vector.shape_cast %swap3A_438 : vector<1x16xf32> to vector<16xf32>
    %swap3A_440 = vector.shape_cast %broadcast_in_dim3A_3 : vector<16xf32> to vector<1x16xf32>
    tpu.vector_store %arg7[%swap3A_436, %swap3A_437], %swap3A_440 {strides = array<i32>} : memref<32x64xf32, #tpu.memory_space<vmem>>, vector<1x16xf32>,
    %swap3A_441 = arith.constant 18 : i32
    %swap3A_442 = arith.index_cast %swap3A_441 : i32 to index
    %swap3A_443 = arith.constant 16 : index
    %swap3A_444 = tpu.vector_load %arg7[%swap3A_442, %swap3A_443] {strides = array<i32>} : memref<32x64xf32, #tpu.memory_space<vmem>>, vector<1x16xf32>,
    %swap3A_445 = vector.shape_cast %swap3A_444 : vector<1x16xf32> to vector<16xf32>
    %swap3A_446 = vector.shape_cast %broadcast_in_dim3A_3 : vector<16xf32> to vector<1x16xf32>
    tpu.vector_store %arg7[%swap3A_442, %swap3A_443], %swap3A_446 {strides = array<i32>} : memref<32x64xf32, #tpu.memory_space<vmem>>, vector<1x16xf32>,
    %swap3A_447 = arith.constant 18 : i32
    %swap3A_448 = arith.index_cast %swap3A_447 : i32 to index
    %swap3A_449 = arith.constant 32 : index
    %swap3A_450 = tpu.vector_load %arg7[%swap3A_448, %swap3A_449] {strides = array<i32>} : memref<32x64xf32, #tpu.memory_space<vmem>>, vector<1x16xf32>,
    %swap3A_451 = vector.shape_cast %swap3A_450 : vector<1x16xf32> to vector<16xf32>
    %swap3A_452 = vector.shape_cast %broadcast_in_dim3A_3 : vector<16xf32> to vector<1x16xf32>
    tpu.vector_store %arg7[%swap3A_448, %swap3A_449], %swap3A_452 {strides = array<i32>} : memref<32x64xf32, #tpu.memory_space<vmem>>, vector<1x16xf32>,
    %swap3A_453 = arith.constant 18 : i32
    %swap3A_454 = arith.index_cast %swap3A_453 : i32 to index
    %swap3A_455 = arith.constant 48 : index
    %swap3A_456 = tpu.vector_load %arg7[%swap3A_454, %swap3A_455] {strides = array<i32>} : memref<32x64xf32, #tpu.memory_space<vmem>>, vector<1x16xf32>,
    %swap3A_457 = vector.shape_cast %swap3A_456 : vector<1x16xf32> to vector<16xf32>
    %swap3A_458 = vector.shape_cast %broadcast_in_dim3A_3 : vector<16xf32> to vector<1x16xf32>
    tpu.vector_store %arg7[%swap3A_454, %swap3A_455], %swap3A_458 {strides = array<i32>} : memref<32x64xf32, #tpu.memory_space<vmem>>, vector<1x16xf32>,
    %swap3A_459 = arith.constant 19 : i32
    %swap3A_460 = arith.index_cast %swap3A_459 : i32 to index
    %swap3A_461 = arith.constant 0 : index
    %swap3A_462 = tpu.vector_load %arg7[%swap3A_460, %swap3A_461] {strides = array<i32>} : memref<32x64xf32, #tpu.memory_space<vmem>>, vector<1x16xf32>,
    %swap3A_463 = vector.shape_cast %swap3A_462 : vector<1x16xf32> to vector<16xf32>
    %swap3A_464 = vector.shape_cast %broadcast_in_dim3A_3 : vector<16xf32> to vector<1x16xf32>
    tpu.vector_store %arg7[%swap3A_460, %swap3A_461], %swap3A_464 {strides = array<i32>} : memref<32x64xf32, #tpu.memory_space<vmem>>, vector<1x16xf32>,
    %swap3A_465 = arith.constant 19 : i32
    %swap3A_466 = arith.index_cast %swap3A_465 : i32 to index
    %swap3A_467 = arith.constant 16 : index
    %swap3A_468 = tpu.vector_load %arg7[%swap3A_466, %swap3A_467] {strides = array<i32>} : memref<32x64xf32, #tpu.memory_space<vmem>>, vector<1x16xf32>,
    %swap3A_469 = vector.shape_cast %swap3A_468 : vector<1x16xf32> to vector<16xf32>
    %swap3A_470 = vector.shape_cast %broadcast_in_dim3A_3 : vector<16xf32> to vector<1x16xf32>
    tpu.vector_store %arg7[%swap3A_466, %swap3A_467], %swap3A_470 {strides = array<i32>} : memref<32x64xf32, #tpu.memory_space<vmem>>, vector<1x16xf32>,
    %swap3A_471 = arith.constant 19 : i32
    %swap3A_472 = arith.index_cast %swap3A_471 : i32 to index
    %swap3A_473 = arith.constant 32 : index
    %swap3A_474 = tpu.vector_load %arg7[%swap3A_472, %swap3A_473] {strides = array<i32>} : memref<32x64xf32, #tpu.memory_space<vmem>>, vector<1x16xf32>,
    %swap3A_475 = vector.shape_cast %swap3A_474 : vector<1x16xf32> to vector<16xf32>
    %swap3A_476 = vector.shape_cast %broadcast_in_dim3A_3 : vector<16xf32> to vector<1x16xf32>
    tpu.vector_store %arg7[%swap3A_472, %swap3A_473], %swap3A_476 {strides = array<i32>} : memref<32x64xf32, #tpu.memory_space<vmem>>, vector<1x16xf32>,
    %swap3A_477 = arith.constant 19 : i32
    %swap3A_478 = arith.index_cast %swap3A_477 : i32 to index
    %swap3A_479 = arith.constant 48 : index
    %swap3A_480 = tpu.vector_load %arg7[%swap3A_478, %swap3A_479] {strides = array<i32>} : memref<32x64xf32, #tpu.memory_space<vmem>>, vector<1x16xf32>,
    %swap3A_481 = vector.shape_cast %swap3A_480 : vector<1x16xf32> to vector<16xf32>
    %swap3A_482 = vector.shape_cast %broadcast_in_dim3A_3 : vector<16xf32> to vector<1x16xf32>
    tpu.vector_store %arg7[%swap3A_478, %swap3A_479], %swap3A_482 {strides = array<i32>} : memref<32x64xf32, #tpu.memory_space<vmem>>, vector<1x16xf32>,
    %swap3A_483 = arith.constant 20 : i32
    %swap3A_484 = arith.index_cast %swap3A_483 : i32 to index
    %swap3A_485 = arith.constant 0 : index
    %swap3A_486 = tpu.vector_load %arg7[%swap3A_484, %swap3A_485] {strides = array<i32>} : memref<32x64xf32, #tpu.memory_space<vmem>>, vector<1x16xf32>,
    %swap3A_487 = vector.shape_cast %swap3A_486 : vector<1x16xf32> to vector<16xf32>
    %swap3A_488 = vector.shape_cast %broadcast_in_dim3A_3 : vector<16xf32> to vector<1x16xf32>
    tpu.vector_store %arg7[%swap3A_484, %swap3A_485], %swap3A_488 {strides = array<i32>} : memref<32x64xf32, #tpu.memory_space<vmem>>, vector<1x16xf32>,
    %swap3A_489 = arith.constant 20 : i32
    %swap3A_490 = arith.index_cast %swap3A_489 : i32 to index
    %swap3A_491 = arith.constant 16 : index
    %swap3A_492 = tpu.vector_load %arg7[%swap3A_490, %swap3A_491] {strides = array<i32>} : memref<32x64xf32, #tpu.memory_space<vmem>>, vector<1x16xf32>,
    %swap3A_493 = vector.shape_cast %swap3A_492 : vector<1x16xf32> to vector<16xf32>
    %swap3A_494 = vector.shape_cast %broadcast_in_dim3A_3 : vector<16xf32> to vector<1x16xf32>
    tpu.vector_store %arg7[%swap3A_490, %swap3A_491], %swap3A_494 {strides = array<i32>} : memref<32x64xf32, #tpu.memory_space<vmem>>, vector<1x16xf32>,
    %swap3A_495 = arith.constant 20 : i32
    %swap3A_496 = arith.index_cast %swap3A_495 : i32 to index
    %swap3A_497 = arith.constant 32 : index
    %swap3A_498 = tpu.vector_load %arg7[%swap3A_496, %swap3A_497] {strides = array<i32>} : memref<32x64xf32, #tpu.memory_space<vmem>>, vector<1x16xf32>,
    %swap3A_499 = vector.shape_cast %swap3A_498 : vector<1x16xf32> to vector<16xf32>
    %swap3A_500 = vector.shape_cast %broadcast_in_dim3A_3 : vector<16xf32> to vector<1x16xf32>
    tpu.vector_store %arg7[%swap3A_496, %swap3A_497], %swap3A_500 {strides = array<i32>} : memref<32x64xf32, #tpu.memory_space<vmem>>, vector<1x16xf32>,
    %swap3A_501 = arith.constant 20 : i32
    %swap3A_502 = arith.index_cast %swap3A_501 : i32 to index
    %swap3A_503 = arith.constant 48 : index
    %swap3A_504 = tpu.vector_load %arg7[%swap3A_502, %swap3A_503] {strides = array<i32>} : memref<32x64xf32, #tpu.memory_space<vmem>>, vector<1x16xf32>,
    %swap3A_505 = vector.shape_cast %swap3A_504 : vector<1x16xf32> to vector<16xf32>
    %swap3A_506 = vector.shape_cast %broadcast_in_dim3A_3 : vector<16xf32> to vector<1x16xf32>
    tpu.vector_store %arg7[%swap3A_502, %swap3A_503], %swap3A_506 {strides = array<i32>} : memref<32x64xf32, #tpu.memory_space<vmem>>, vector<1x16xf32>,
    %swap3A_507 = arith.constant 21 : i32
    %swap3A_508 = arith.index_cast %swap3A_507 : i32 to index
    %swap3A_509 = arith.constant 0 : index
    %swap3A_510 = tpu.vector_load %arg7[%swap3A_508, %swap3A_509] {strides = array<i32>} : memref<32x64xf32, #tpu.memory_space<vmem>>, vector<1x16xf32>,
    %swap3A_511 = vector.shape_cast %swap3A_510 : vector<1x16xf32> to vector<16xf32>
    %swap3A_512 = vector.shape_cast %broadcast_in_dim3A_3 : vector<16xf32> to vector<1x16xf32>
    tpu.vector_store %arg7[%swap3A_508, %swap3A_509], %swap3A_512 {strides = array<i32>} : memref<32x64xf32, #tpu.memory_space<vmem>>, vector<1x16xf32>,
    %swap3A_513 = arith.constant 21 : i32
    %swap3A_514 = arith.index_cast %swap3A_513 : i32 to index
    %swap3A_515 = arith.constant 16 : index
    %swap3A_516 = tpu.vector_load %arg7[%swap3A_514, %swap3A_515] {strides = array<i32>} : memref<32x64xf32, #tpu.memory_space<vmem>>, vector<1x16xf32>,
    %swap3A_517 = vector.shape_cast %swap3A_516 : vector<1x16xf32> to vector<16xf32>
    %swap3A_518 = vector.shape_cast %broadcast_in_dim3A_3 : vector<16xf32> to vector<1x16xf32>
    tpu.vector_store %arg7[%swap3A_514, %swap3A_515], %swap3A_518 {strides = array<i32>} : memref<32x64xf32, #tpu.memory_space<vmem>>, vector<1x16xf32>,
    %swap3A_519 = arith.constant 21 : i32
    %swap3A_520 = arith.index_cast %swap3A_519 : i32 to index
    %swap3A_521 = arith.constant 32 : index
    %swap3A_522 = tpu.vector_load %arg7[%swap3A_520, %swap3A_521] {strides = array<i32>} : memref<32x64xf32, #tpu.memory_space<vmem>>, vector<1x16xf32>,
    %swap3A_523 = vector.shape_cast %swap3A_522 : vector<1x16xf32> to vector<16xf32>
    %swap3A_524 = vector.shape_cast %broadcast_in_dim3A_3 : vector<16xf32> to vector<1x16xf32>
    tpu.vector_store %arg7[%swap3A_520, %swap3A_521], %swap3A_524 {strides = array<i32>} : memref<32x64xf32, #tpu.memory_space<vmem>>, vector<1x16xf32>,
    %swap3A_525 = arith.constant 21 : i32
    %swap3A_526 = arith.index_cast %swap3A_525 : i32 to index
    %swap3A_527 = arith.constant 48 : index
    %swap3A_528 = tpu.vector_load %arg7[%swap3A_526, %swap3A_527] {strides = array<i32>} : memref<32x64xf32, #tpu.memory_space<vmem>>, vector<1x16xf32>,
    %swap3A_529 = vector.shape_cast %swap3A_528 : vector<1x16xf32> to vector<16xf32>
    %swap3A_530 = vector.shape_cast %broadcast_in_dim3A_3 : vector<16xf32> to vector<1x16xf32>
    tpu.vector_store %arg7[%swap3A_526, %swap3A_527], %swap3A_530 {strides = array<i32>} : memref<32x64xf32, #tpu.memory_space<vmem>>, vector<1x16xf32>,
    %swap3A_531 = arith.constant 22 : i32
    %swap3A_532 = arith.index_cast %swap3A_531 : i32 to index
    %swap3A_533 = arith.constant 0 : index
    %swap3A_534 = tpu.vector_load %arg7[%swap3A_532, %swap3A_533] {strides = array<i32>} : memref<32x64xf32, #tpu.memory_space<vmem>>, vector<1x16xf32>,
    %swap3A_535 = vector.shape_cast %swap3A_534 : vector<1x16xf32> to vector<16xf32>
    %swap3A_536 = vector.shape_cast %broadcast_in_dim3A_3 : vector<16xf32> to vector<1x16xf32>
    tpu.vector_store %arg7[%swap3A_532, %swap3A_533], %swap3A_536 {strides = array<i32>} : memref<32x64xf32, #tpu.memory_space<vmem>>, vector<1x16xf32>,
    %swap3A_537 = arith.constant 22 : i32
    %swap3A_538 = arith.index_cast %swap3A_537 : i32 to index
    %swap3A_539 = arith.constant 16 : index
    %swap3A_540 = tpu.vector_load %arg7[%swap3A_538, %swap3A_539] {strides = array<i32>} : memref<32x64xf32, #tpu.memory_space<vmem>>, vector<1x16xf32>,
    %swap3A_541 = vector.shape_cast %swap3A_540 : vector<1x16xf32> to vector<16xf32>
    %swap3A_542 = vector.shape_cast %broadcast_in_dim3A_3 : vector<16xf32> to vector<1x16xf32>
    tpu.vector_store %arg7[%swap3A_538, %swap3A_539], %swap3A_542 {strides = array<i32>} : memref<32x64xf32, #tpu.memory_space<vmem>>, vector<1x16xf32>,
    %swap3A_543 = arith.constant 22 : i32
    %swap3A_544 = arith.index_cast %swap3A_543 : i32 to index
    %swap3A_545 = arith.constant 32 : index
    %swap3A_546 = tpu.vector_load %arg7[%swap3A_544, %swap3A_545] {strides = array<i32>} : memref<32x64xf32, #tpu.memory_space<vmem>>, vector<1x16xf32>,
    %swap3A_547 = vector.shape_cast %swap3A_546 : vector<1x16xf32> to vector<16xf32>
    %swap3A_548 = vector.shape_cast %broadcast_in_dim3A_3 : vector<16xf32> to vector<1x16xf32>
    tpu.vector_store %arg7[%swap3A_544, %swap3A_545], %swap3A_548 {strides = array<i32>} : memref<32x64xf32, #tpu.memory_space<vmem>>, vector<1x16xf32>,
    %swap3A_549 = arith.constant 22 : i32
    %swap3A_550 = arith.index_cast %swap3A_549 : i32 to index
    %swap3A_551 = arith.constant 48 : index
    %swap3A_552 = tpu.vector_load %arg7[%swap3A_550, %swap3A_551] {strides = array<i32>} : memref<32x64xf32, #tpu.memory_space<vmem>>, vector<1x16xf32>,
    %swap3A_553 = vector.shape_cast %swap3A_552 : vector<1x16xf32> to vector<16xf32>
    %swap3A_554 = vector.shape_cast %broadcast_in_dim3A_3 : vector<16xf32> to vector<1x16xf32>
    tpu.vector_store %arg7[%swap3A_550, %swap3A_551], %swap3A_554 {strides = array<i32>} : memref<32x64xf32, #tpu.memory_space<vmem>>, vector<1x16xf32>,
    %swap3A_555 = arith.constant 23 : i32
    %swap3A_556 = arith.index_cast %swap3A_555 : i32 to index
    %swap3A_557 = arith.constant 0 : index
    %swap3A_558 = tpu.vector_load %arg7[%swap3A_556, %swap3A_557] {strides = array<i32>} : memref<32x64xf32, #tpu.memory_space<vmem>>, vector<1x16xf32>,
    %swap3A_559 = vector.shape_cast %swap3A_558 : vector<1x16xf32> to vector<16xf32>
    %swap3A_560 = vector.shape_cast %broadcast_in_dim3A_3 : vector<16xf32> to vector<1x16xf32>
    tpu.vector_store %arg7[%swap3A_556, %swap3A_557], %swap3A_560 {strides = array<i32>} : memref<32x64xf32, #tpu.memory_space<vmem>>, vector<1x16xf32>,
    %swap3A_561 = arith.constant 23 : i32
    %swap3A_562 = arith.index_cast %swap3A_561 : i32 to index
    %swap3A_563 = arith.constant 16 : index
    %swap3A_564 = tpu.vector_load %arg7[%swap3A_562, %swap3A_563] {strides = array<i32>} : memref<32x64xf32, #tpu.memory_space<vmem>>, vector<1x16xf32>,
    %swap3A_565 = vector.shape_cast %swap3A_564 : vector<1x16xf32> to vector<16xf32>
    %swap3A_566 = vector.shape_cast %broadcast_in_dim3A_3 : vector<16xf32> to vector<1x16xf32>
    tpu.vector_store %arg7[%swap3A_562, %swap3A_563], %swap3A_566 {strides = array<i32>} : memref<32x64xf32, #tpu.memory_space<vmem>>, vector<1x16xf32>,
    %swap3A_567 = arith.constant 23 : i32
    %swap3A_568 = arith.index_cast %swap3A_567 : i32 to index
    %swap3A_569 = arith.constant 32 : index
    %swap3A_570 = tpu.vector_load %arg7[%swap3A_568, %swap3A_569] {strides = array<i32>} : memref<32x64xf32, #tpu.memory_space<vmem>>, vector<1x16xf32>,
    %swap3A_571 = vector.shape_cast %swap3A_570 : vector<1x16xf32> to vector<16xf32>
    %swap3A_572 = vector.shape_cast %broadcast_in_dim3A_3 : vector<16xf32> to vector<1x16xf32>
    tpu.vector_store %arg7[%swap3A_568, %swap3A_569], %swap3A_572 {strides = array<i32>} : memref<32x64xf32, #tpu.memory_space<vmem>>, vector<1x16xf32>,
    %swap3A_573 = arith.constant 23 : i32
    %swap3A_574 = arith.index_cast %swap3A_573 : i32 to index
    %swap3A_575 = arith.constant 48 : index
    %swap3A_576 = tpu.vector_load %arg7[%swap3A_574, %swap3A_575] {strides = array<i32>} : memref<32x64xf32, #tpu.memory_space<vmem>>, vector<1x16xf32>,
    %swap3A_577 = vector.shape_cast %swap3A_576 : vector<1x16xf32> to vector<16xf32>
    %swap3A_578 = vector.shape_cast %broadcast_in_dim3A_3 : vector<16xf32> to vector<1x16xf32>
    tpu.vector_store %arg7[%swap3A_574, %swap3A_575], %swap3A_578 {strides = array<i32>} : memref<32x64xf32, #tpu.memory_space<vmem>>, vector<1x16xf32>,
    %swap3A_579 = arith.constant 24 : i32
    %swap3A_580 = arith.index_cast %swap3A_579 : i32 to index
    %swap3A_581 = arith.constant 0 : index
    %swap3A_582 = tpu.vector_load %arg7[%swap3A_580, %swap3A_581] {strides = array<i32>} : memref<32x64xf32, #tpu.memory_space<vmem>>, vector<1x16xf32>,
    %swap3A_583 = vector.shape_cast %swap3A_582 : vector<1x16xf32> to vector<16xf32>
    %swap3A_584 = vector.shape_cast %broadcast_in_dim3A_3 : vector<16xf32> to vector<1x16xf32>
    tpu.vector_store %arg7[%swap3A_580, %swap3A_581], %swap3A_584 {strides = array<i32>} : memref<32x64xf32, #tpu.memory_space<vmem>>, vector<1x16xf32>,
    %swap3A_585 = arith.constant 24 : i32
    %swap3A_586 = arith.index_cast %swap3A_585 : i32 to index
    %swap3A_587 = arith.constant 16 : index
    %swap3A_588 = tpu.vector_load %arg7[%swap3A_586, %swap3A_587] {strides = array<i32>} : memref<32x64xf32, #tpu.memory_space<vmem>>, vector<1x16xf32>,
    %swap3A_589 = vector.shape_cast %swap3A_588 : vector<1x16xf32> to vector<16xf32>
    %swap3A_590 = vector.shape_cast %broadcast_in_dim3A_3 : vector<16xf32> to vector<1x16xf32>
    tpu.vector_store %arg7[%swap3A_586, %swap3A_587], %swap3A_590 {strides = array<i32>} : memref<32x64xf32, #tpu.memory_space<vmem>>, vector<1x16xf32>,
    %swap3A_591 = arith.constant 24 : i32
    %swap3A_592 = arith.index_cast %swap3A_591 : i32 to index
    %swap3A_593 = arith.constant 32 : index
    %swap3A_594 = tpu.vector_load %arg7[%swap3A_592, %swap3A_593] {strides = array<i32>} : memref<32x64xf32, #tpu.memory_space<vmem>>, vector<1x16xf32>,
    %swap3A_595 = vector.shape_cast %swap3A_594 : vector<1x16xf32> to vector<16xf32>
    %swap3A_596 = vector.shape_cast %broadcast_in_dim3A_3 : vector<16xf32> to vector<1x16xf32>
    tpu.vector_store %arg7[%swap3A_592, %swap3A_593], %swap3A_596 {strides = array<i32>} : memref<32x64xf32, #tpu.memory_space<vmem>>, vector<1x16xf32>,
    %swap3A_597 = arith.constant 24 : i32
    %swap3A_598 = arith.index_cast %swap3A_597 : i32 to index
    %swap3A_599 = arith.constant 48 : index
    %swap3A_600 = tpu.vector_load %arg7[%swap3A_598, %swap3A_599] {strides = array<i32>} : memref<32x64xf32, #tpu.memory_space<vmem>>, vector<1x16xf32>,
    %swap3A_601 = vector.shape_cast %swap3A_600 : vector<1x16xf32> to vector<16xf32>
    %swap3A_602 = vector.shape_cast %broadcast_in_dim3A_3 : vector<16xf32> to vector<1x16xf32>
    tpu.vector_store %arg7[%swap3A_598, %swap3A_599], %swap3A_602 {strides = array<i32>} : memref<32x64xf32, #tpu.memory_space<vmem>>, vector<1x16xf32>,
    %swap3A_603 = arith.constant 25 : i32
    %swap3A_604 = arith.index_cast %swap3A_603 : i32 to index
    %swap3A_605 = arith.constant 0 : index
    %swap3A_606 = tpu.vector_load %arg7[%swap3A_604, %swap3A_605] {strides = array<i32>} : memref<32x64xf32, #tpu.memory_space<vmem>>, vector<1x16xf32>,
    %swap3A_607 = vector.shape_cast %swap3A_606 : vector<1x16xf32> to vector<16xf32>
    %swap3A_608 = vector.shape_cast %broadcast_in_dim3A_3 : vector<16xf32> to vector<1x16xf32>
    tpu.vector_store %arg7[%swap3A_604, %swap3A_605], %swap3A_608 {strides = array<i32>} : memref<32x64xf32, #tpu.memory_space<vmem>>, vector<1x16xf32>,
    %swap3A_609 = arith.constant 25 : i32
    %swap3A_610 = arith.index_cast %swap3A_609 : i32 to index
    %swap3A_611 = arith.constant 16 : index
    %swap3A_612 = tpu.vector_load %arg7[%swap3A_610, %swap3A_611] {strides = array<i32>} : memref<32x64xf32, #tpu.memory_space<vmem>>, vector<1x16xf32>,
    %swap3A_613 = vector.shape_cast %swap3A_612 : vector<1x16xf32> to vector<16xf32>
    %swap3A_614 = vector.shape_cast %broadcast_in_dim3A_3 : vector<16xf32> to vector<1x16xf32>
    tpu.vector_store %arg7[%swap3A_610, %swap3A_611], %swap3A_614 {strides = array<i32>} : memref<32x64xf32, #tpu.memory_space<vmem>>, vector<1x16xf32>,
    %swap3A_615 = arith.constant 25 : i32
    %swap3A_616 = arith.index_cast %swap3A_615 : i32 to index
    %swap3A_617 = arith.constant 32 : index
    %swap3A_618 = tpu.vector_load %arg7[%swap3A_616, %swap3A_617] {strides = array<i32>} : memref<32x64xf32, #tpu.memory_space<vmem>>, vector<1x16xf32>,
    %swap3A_619 = vector.shape_cast %swap3A_618 : vector<1x16xf32> to vector<16xf32>
    %swap3A_620 = vector.shape_cast %broadcast_in_dim3A_3 : vector<16xf32> to vector<1x16xf32>
    tpu.vector_store %arg7[%swap3A_616, %swap3A_617], %swap3A_620 {strides = array<i32>} : memref<32x64xf32, #tpu.memory_space<vmem>>, vector<1x16xf32>,
    %swap3A_621 = arith.constant 25 : i32
    %swap3A_622 = arith.index_cast %swap3A_621 : i32 to index
    %swap3A_623 = arith.constant 48 : index
    %swap3A_624 = tpu.vector_load %arg7[%swap3A_622, %swap3A_623] {strides = array<i32>} : memref<32x64xf32, #tpu.memory_space<vmem>>, vector<1x16xf32>,
    %swap3A_625 = vector.shape_cast %swap3A_624 : vector<1x16xf32> to vector<16xf32>
    %swap3A_626 = vector.shape_cast %broadcast_in_dim3A_3 : vector<16xf32> to vector<1x16xf32>
    tpu.vector_store %arg7[%swap3A_622, %swap3A_623], %swap3A_626 {strides = array<i32>} : memref<32x64xf32, #tpu.memory_space<vmem>>, vector<1x16xf32>,
    %swap3A_627 = arith.constant 26 : i32
    %swap3A_628 = arith.index_cast %swap3A_627 : i32 to index
    %swap3A_629 = arith.constant 0 : index
    %swap3A_630 = tpu.vector_load %arg7[%swap3A_628, %swap3A_629] {strides = array<i32>} : memref<32x64xf32, #tpu.memory_space<vmem>>, vector<1x16xf32>,
    %swap3A_631 = vector.shape_cast %swap3A_630 : vector<1x16xf32> to vector<16xf32>
    %swap3A_632 = vector.shape_cast %broadcast_in_dim3A_3 : vector<16xf32> to vector<1x16xf32>
    tpu.vector_store %arg7[%swap3A_628, %swap3A_629], %swap3A_632 {strides = array<i32>} : memref<32x64xf32, #tpu.memory_space<vmem>>, vector<1x16xf32>,
    %swap3A_633 = arith.constant 26 : i32
    %swap3A_634 = arith.index_cast %swap3A_633 : i32 to index
    %swap3A_635 = arith.constant 16 : index
    %swap3A_636 = tpu.vector_load %arg7[%swap3A_634, %swap3A_635] {strides = array<i32>} : memref<32x64xf32, #tpu.memory_space<vmem>>, vector<1x16xf32>,
    %swap3A_637 = vector.shape_cast %swap3A_636 : vector<1x16xf32> to vector<16xf32>
    %swap3A_638 = vector.shape_cast %broadcast_in_dim3A_3 : vector<16xf32> to vector<1x16xf32>
    tpu.vector_store %arg7[%swap3A_634, %swap3A_635], %swap3A_638 {strides = array<i32>} : memref<32x64xf32, #tpu.memory_space<vmem>>, vector<1x16xf32>,
    %swap3A_639 = arith.constant 26 : i32
    %swap3A_640 = arith.index_cast %swap3A_639 : i32 to index
    %swap3A_641 = arith.constant 32 : index
    %swap3A_642 = tpu.vector_load %arg7[%swap3A_640, %swap3A_641] {strides = array<i32>} : memref<32x64xf32, #tpu.memory_space<vmem>>, vector<1x16xf32>,
    %swap3A_643 = vector.shape_cast %swap3A_642 : vector<1x16xf32> to vector<16xf32>
    %swap3A_644 = vector.shape_cast %broadcast_in_dim3A_3 : vector<16xf32> to vector<1x16xf32>
    tpu.vector_store %arg7[%swap3A_640, %swap3A_641], %swap3A_644 {strides = array<i32>} : memref<32x64xf32, #tpu.memory_space<vmem>>, vector<1x16xf32>,
    %swap3A_645 = arith.constant 26 : i32
    %swap3A_646 = arith.index_cast %swap3A_645 : i32 to index
    %swap3A_647 = arith.constant 48 : index
    %swap3A_648 = tpu.vector_load %arg7[%swap3A_646, %swap3A_647] {strides = array<i32>} : memref<32x64xf32, #tpu.memory_space<vmem>>, vector<1x16xf32>,
    %swap3A_649 = vector.shape_cast %swap3A_648 : vector<1x16xf32> to vector<16xf32>
    %swap3A_650 = vector.shape_cast %broadcast_in_dim3A_3 : vector<16xf32> to vector<1x16xf32>
    tpu.vector_store %arg7[%swap3A_646, %swap3A_647], %swap3A_650 {strides = array<i32>} : memref<32x64xf32, #tpu.memory_space<vmem>>, vector<1x16xf32>,
    %swap3A_651 = arith.constant 27 : i32
    %swap3A_652 = arith.index_cast %swap3A_651 : i32 to index
    %swap3A_653 = arith.constant 0 : index
    %swap3A_654 = tpu.vector_load %arg7[%swap3A_652, %swap3A_653] {strides = array<i32>} : memref<32x64xf32, #tpu.memory_space<vmem>>, vector<1x16xf32>,
    %swap3A_655 = vector.shape_cast %swap3A_654 : vector<1x16xf32> to vector<16xf32>
    %swap3A_656 = vector.shape_cast %broadcast_in_dim3A_3 : vector<16xf32> to vector<1x16xf32>
    tpu.vector_store %arg7[%swap3A_652, %swap3A_653], %swap3A_656 {strides = array<i32>} : memref<32x64xf32, #tpu.memory_space<vmem>>, vector<1x16xf32>,
    %swap3A_657 = arith.constant 27 : i32
    %swap3A_658 = arith.index_cast %swap3A_657 : i32 to index
    %swap3A_659 = arith.constant 16 : index
    %swap3A_660 = tpu.vector_load %arg7[%swap3A_658, %swap3A_659] {strides = array<i32>} : memref<32x64xf32, #tpu.memory_space<vmem>>, vector<1x16xf32>,
    %swap3A_661 = vector.shape_cast %swap3A_660 : vector<1x16xf32> to vector<16xf32>
    %swap3A_662 = vector.shape_cast %broadcast_in_dim3A_3 : vector<16xf32> to vector<1x16xf32>
    tpu.vector_store %arg7[%swap3A_658, %swap3A_659], %swap3A_662 {strides = array<i32>} : memref<32x64xf32, #tpu.memory_space<vmem>>, vector<1x16xf32>,
    %swap3A_663 = arith.constant 27 : i32
    %swap3A_664 = arith.index_cast %swap3A_663 : i32 to index
    %swap3A_665 = arith.constant 32 : index
    %swap3A_666 = tpu.vector_load %arg7[%swap3A_664, %swap3A_665] {strides = array<i32>} : memref<32x64xf32, #tpu.memory_space<vmem>>, vector<1x16xf32>,
    %swap3A_667 = vector.shape_cast %swap3A_666 : vector<1x16xf32> to vector<16xf32>
    %swap3A_668 = vector.shape_cast %broadcast_in_dim3A_3 : vector<16xf32> to vector<1x16xf32>
    tpu.vector_store %arg7[%swap3A_664, %swap3A_665], %swap3A_668 {strides = array<i32>} : memref<32x64xf32, #tpu.memory_space<vmem>>, vector<1x16xf32>,
    %swap3A_669 = arith.constant 27 : i32
    %swap3A_670 = arith.index_cast %swap3A_669 : i32 to index
    %swap3A_671 = arith.constant 48 : index
    %swap3A_672 = tpu.vector_load %arg7[%swap3A_670, %swap3A_671] {strides = array<i32>} : memref<32x64xf32, #tpu.memory_space<vmem>>, vector<1x16xf32>,
    %swap3A_673 = vector.shape_cast %swap3A_672 : vector<1x16xf32> to vector<16xf32>
    %swap3A_674 = vector.shape_cast %broadcast_in_dim3A_3 : vector<16xf32> to vector<1x16xf32>
    tpu.vector_store %arg7[%swap3A_670, %swap3A_671], %swap3A_674 {strides = array<i32>} : memref<32x64xf32, #tpu.memory_space<vmem>>, vector<1x16xf32>,
    %swap3A_675 = arith.constant 28 : i32
    %swap3A_676 = arith.index_cast %swap3A_675 : i32 to index
    %swap3A_677 = arith.constant 0 : index
    %swap3A_678 = tpu.vector_load %arg7[%swap3A_676, %swap3A_677] {strides = array<i32>} : memref<32x64xf32, #tpu.memory_space<vmem>>, vector<1x16xf32>,
    %swap3A_679 = vector.shape_cast %swap3A_678 : vector<1x16xf32> to vector<16xf32>
    %swap3A_680 = vector.shape_cast %broadcast_in_dim3A_3 : vector<16xf32> to vector<1x16xf32>
    tpu.vector_store %arg7[%swap3A_676, %swap3A_677], %swap3A_680 {strides = array<i32>} : memref<32x64xf32, #tpu.memory_space<vmem>>, vector<1x16xf32>,
    %swap3A_681 = arith.constant 28 : i32
    %swap3A_682 = arith.index_cast %swap3A_681 : i32 to index
    %swap3A_683 = arith.constant 16 : index
    %swap3A_684 = tpu.vector_load %arg7[%swap3A_682, %swap3A_683] {strides = array<i32>} : memref<32x64xf32, #tpu.memory_space<vmem>>, vector<1x16xf32>,
    %swap3A_685 = vector.shape_cast %swap3A_684 : vector<1x16xf32> to vector<16xf32>
    %swap3A_686 = vector.shape_cast %broadcast_in_dim3A_3 : vector<16xf32> to vector<1x16xf32>
    tpu.vector_store %arg7[%swap3A_682, %swap3A_683], %swap3A_686 {strides = array<i32>} : memref<32x64xf32, #tpu.memory_space<vmem>>, vector<1x16xf32>,
    %swap3A_687 = arith.constant 28 : i32
    %swap3A_688 = arith.index_cast %swap3A_687 : i32 to index
    %swap3A_689 = arith.constant 32 : index
    %swap3A_690 = tpu.vector_load %arg7[%swap3A_688, %swap3A_689] {strides = array<i32>} : memref<32x64xf32, #tpu.memory_space<vmem>>, vector<1x16xf32>,
    %swap3A_691 = vector.shape_cast %swap3A_690 : vector<1x16xf32> to vector<16xf32>
    %swap3A_692 = vector.shape_cast %broadcast_in_dim3A_3 : vector<16xf32> to vector<1x16xf32>
    tpu.vector_store %arg7[%swap3A_688, %swap3A_689], %swap3A_692 {strides = array<i32>} : memref<32x64xf32, #tpu.memory_space<vmem>>, vector<1x16xf32>,
    %swap3A_693 = arith.constant 28 : i32
    %swap3A_694 = arith.index_cast %swap3A_693 : i32 to index
    %swap3A_695 = arith.constant 48 : index
    %swap3A_696 = tpu.vector_load %arg7[%swap3A_694, %swap3A_695] {strides = array<i32>} : memref<32x64xf32, #tpu.memory_space<vmem>>, vector<1x16xf32>,
    %swap3A_697 = vector.shape_cast %swap3A_696 : vector<1x16xf32> to vector<16xf32>
    %swap3A_698 = vector.shape_cast %broadcast_in_dim3A_3 : vector<16xf32> to vector<1x16xf32>
    tpu.vector_store %arg7[%swap3A_694, %swap3A_695], %swap3A_698 {strides = array<i32>} : memref<32x64xf32, #tpu.memory_space<vmem>>, vector<1x16xf32>,
    %swap3A_699 = arith.constant 29 : i32
    %swap3A_700 = arith.index_cast %swap3A_699 : i32 to index
    %swap3A_701 = arith.constant 0 : index
    %swap3A_702 = tpu.vector_load %arg7[%swap3A_700, %swap3A_701] {strides = array<i32>} : memref<32x64xf32, #tpu.memory_space<vmem>>, vector<1x16xf32>,
    %swap3A_703 = vector.shape_cast %swap3A_702 : vector<1x16xf32> to vector<16xf32>
    %swap3A_704 = vector.shape_cast %broadcast_in_dim3A_3 : vector<16xf32> to vector<1x16xf32>
    tpu.vector_store %arg7[%swap3A_700, %swap3A_701], %swap3A_704 {strides = array<i32>} : memref<32x64xf32, #tpu.memory_space<vmem>>, vector<1x16xf32>,
    %swap3A_705 = arith.constant 29 : i32
    %swap3A_706 = arith.index_cast %swap3A_705 : i32 to index
    %swap3A_707 = arith.constant 16 : index
    %swap3A_708 = tpu.vector_load %arg7[%swap3A_706, %swap3A_707] {strides = array<i32>} : memref<32x64xf32, #tpu.memory_space<vmem>>, vector<1x16xf32>,
    %swap3A_709 = vector.shape_cast %swap3A_708 : vector<1x16xf32> to vector<16xf32>
    %swap3A_710 = vector.shape_cast %broadcast_in_dim3A_3 : vector<16xf32> to vector<1x16xf32>
    tpu.vector_store %arg7[%swap3A_706, %swap3A_707], %swap3A_710 {strides = array<i32>} : memref<32x64xf32, #tpu.memory_space<vmem>>, vector<1x16xf32>,
    %swap3A_711 = arith.constant 29 : i32
    %swap3A_712 = arith.index_cast %swap3A_711 : i32 to index
    %swap3A_713 = arith.constant 32 : index
    %swap3A_714 = tpu.vector_load %arg7[%swap3A_712, %swap3A_713] {strides = array<i32>} : memref<32x64xf32, #tpu.memory_space<vmem>>, vector<1x16xf32>,
    %swap3A_715 = vector.shape_cast %swap3A_714 : vector<1x16xf32> to vector<16xf32>
    %swap3A_716 = vector.shape_cast %broadcast_in_dim3A_3 : vector<16xf32> to vector<1x16xf32>
    tpu.vector_store %arg7[%swap3A_712, %swap3A_713], %swap3A_716 {strides = array<i32>} : memref<32x64xf32, #tpu.memory_space<vmem>>, vector<1x16xf32>,
    %swap3A_717 = arith.constant 29 : i32
    %swap3A_718 = arith.index_cast %swap3A_717 : i32 to index
    %swap3A_719 = arith.constant 48 : index
    %swap3A_720 = tpu.vector_load %arg7[%swap3A_718, %swap3A_719] {strides = array<i32>} : memref<32x64xf32, #tpu.memory_space<vmem>>, vector<1x16xf32>,
    %swap3A_721 = vector.shape_cast %swap3A_720 : vector<1x16xf32> to vector<16xf32>
    %swap3A_722 = vector.shape_cast %broadcast_in_dim3A_3 : vector<16xf32> to vector<1x16xf32>
    tpu.vector_store %arg7[%swap3A_718, %swap3A_719], %swap3A_722 {strides = array<i32>} : memref<32x64xf32, #tpu.memory_space<vmem>>, vector<1x16xf32>,
    %swap3A_723 = arith.constant 30 : i32
    %swap3A_724 = arith.index_cast %swap3A_723 : i32 to index
    %swap3A_725 = arith.constant 0 : index
    %swap3A_726 = tpu.vector_load %arg7[%swap3A_724, %swap3A_725] {strides = array<i32>} : memref<32x64xf32, #tpu.memory_space<vmem>>, vector<1x16xf32>,
    %swap3A_727 = vector.shape_cast %swap3A_726 : vector<1x16xf32> to vector<16xf32>
    %swap3A_728 = vector.shape_cast %broadcast_in_dim3A_3 : vector<16xf32> to vector<1x16xf32>
    tpu.vector_store %arg7[%swap3A_724, %swap3A_725], %swap3A_728 {strides = array<i32>} : memref<32x64xf32, #tpu.memory_space<vmem>>, vector<1x16xf32>,
    %swap3A_729 = arith.constant 30 : i32
    %swap3A_730 = arith.index_cast %swap3A_729 : i32 to index
    %swap3A_731 = arith.constant 16 : index
    %swap3A_732 = tpu.vector_load %arg7[%swap3A_730, %swap3A_731] {strides = array<i32>} : memref<32x64xf32, #tpu.memory_space<vmem>>, vector<1x16xf32>,
    %swap3A_733 = vector.shape_cast %swap3A_732 : vector<1x16xf32> to vector<16xf32>
    %swap3A_734 = vector.shape_cast %broadcast_in_dim3A_3 : vector<16xf32> to vector<1x16xf32>
    tpu.vector_store %arg7[%swap3A_730, %swap3A_731], %swap3A_734 {strides = array<i32>} : memref<32x64xf32, #tpu.memory_space<vmem>>, vector<1x16xf32>,
    %swap3A_735 = arith.constant 30 : i32
    %swap3A_736 = arith.index_cast %swap3A_735 : i32 to index
    %swap3A_737 = arith.constant 32 : index
    %swap3A_738 = tpu.vector_load %arg7[%swap3A_736, %swap3A_737] {strides = array<i32>} : memref<32x64xf32, #tpu.memory_space<vmem>>, vector<1x16xf32>,
    %swap3A_739 = vector.shape_cast %swap3A_738 : vector<1x16xf32> to vector<16xf32>
    %swap3A_740 = vector.shape_cast %broadcast_in_dim3A_3 : vector<16xf32> to vector<1x16xf32>
    tpu.vector_store %arg7[%swap3A_736, %swap3A_737], %swap3A_740 {strides = array<i32>} : memref<32x64xf32, #tpu.memory_space<vmem>>, vector<1x16xf32>,
    %swap3A_741 = arith.constant 30 : i32
    %swap3A_742 = arith.index_cast %swap3A_741 : i32 to index
    %swap3A_743 = arith.constant 48 : index
    %swap3A_744 = tpu.vector_load %arg7[%swap3A_742, %swap3A_743] {strides = array<i32>} : memref<32x64xf32, #tpu.memory_space<vmem>>, vector<1x16xf32>,
    %swap3A_745 = vector.shape_cast %swap3A_744 : vector<1x16xf32> to vector<16xf32>
    %swap3A_746 = vector.shape_cast %broadcast_in_dim3A_3 : vector<16xf32> to vector<1x16xf32>
    tpu.vector_store %arg7[%swap3A_742, %swap3A_743], %swap3A_746 {strides = array<i32>} : memref<32x64xf32, #tpu.memory_space<vmem>>, vector<1x16xf32>,
    %swap3A_747 = arith.constant 31 : i32
    %swap3A_748 = arith.index_cast %swap3A_747 : i32 to index
    %swap3A_749 = arith.constant 0 : index
    %swap3A_750 = tpu.vector_load %arg7[%swap3A_748, %swap3A_749] {strides = array<i32>} : memref<32x64xf32, #tpu.memory_space<vmem>>, vector<1x16xf32>,
    %swap3A_751 = vector.shape_cast %swap3A_750 : vector<1x16xf32> to vector<16xf32>
    %swap3A_752 = vector.shape_cast %broadcast_in_dim3A_3 : vector<16xf32> to vector<1x16xf32>
    tpu.vector_store %arg7[%swap3A_748, %swap3A_749], %swap3A_752 {strides = array<i32>} : memref<32x64xf32, #tpu.memory_space<vmem>>, vector<1x16xf32>,
    %swap3A_753 = arith.constant 31 : i32
    %swap3A_754 = arith.index_cast %swap3A_753 : i32 to index
    %swap3A_755 = arith.constant 16 : index
    %swap3A_756 = tpu.vector_load %arg7[%swap3A_754, %swap3A_755] {strides = array<i32>} : memref<32x64xf32, #tpu.memory_space<vmem>>, vector<1x16xf32>,
    %swap3A_757 = vector.shape_cast %swap3A_756 : vector<1x16xf32> to vector<16xf32>
    %swap3A_758 = vector.shape_cast %broadcast_in_dim3A_3 : vector<16xf32> to vector<1x16xf32>
    tpu.vector_store %arg7[%swap3A_754, %swap3A_755], %swap3A_758 {strides = array<i32>} : memref<32x64xf32, #tpu.memory_space<vmem>>, vector<1x16xf32>,
    %swap3A_759 = arith.constant 31 : i32
    %swap3A_760 = arith.index_cast %swap3A_759 : i32 to index
    %swap3A_761 = arith.constant 32 : index
    %swap3A_762 = tpu.vector_load %arg7[%swap3A_760, %swap3A_761] {strides = array<i32>} : memref<32x64xf32, #tpu.memory_space<vmem>>, vector<1x16xf32>,
    %swap3A_763 = vector.shape_cast %swap3A_762 : vector<1x16xf32> to vector<16xf32>
    %swap3A_764 = vector.shape_cast %broadcast_in_dim3A_3 : vector<16xf32> to vector<1x16xf32>
    tpu.vector_store %arg7[%swap3A_760, %swap3A_761], %swap3A_764 {strides = array<i32>} : memref<32x64xf32, #tpu.memory_space<vmem>>, vector<1x16xf32>,
    %swap3A_765 = arith.constant 31 : i32
    %swap3A_766 = arith.index_cast %swap3A_765 : i32 to index
    %swap3A_767 = arith.constant 48 : index
    %swap3A_768 = tpu.vector_load %arg7[%swap3A_766, %swap3A_767] {strides = array<i32>} : memref<32x64xf32, #tpu.memory_space<vmem>>, vector<1x16xf32>,
    %swap3A_769 = vector.shape_cast %swap3A_768 : vector<1x16xf32> to vector<16xf32>
    %swap3A_770 = vector.shape_cast %broadcast_in_dim3A_3 : vector<16xf32> to vector<1x16xf32>
    tpu.vector_store %arg7[%swap3A_766, %swap3A_767], %swap3A_770 {strides = array<i32>} : memref<32x64xf32, #tpu.memory_space<vmem>>, vector<1x16xf32>,
    %mul3A_771 = arith.constant 32 : i32
    %mul3A_772 = arith.muli %arg1, %mul3A_771 : i32
    "tpu.region"() ({
      %run_scoped3A = tpu.sem_alloc : memref<!tpu.dma_semaphore, #tpu.memory_space<semaphore_mem>>
      %dma_start3A_846 = arith.constant 0 : i32
      %dma_start3A_847 = tpu.memref_slice %arg8[%mul3A_772, %dma_start3A_846] : memref<512x64xf32, #tpu.memory_space<vmem_shared>> -> memref<32x64xf32, #tpu.memory_space<vmem_shared>>
      %dma_start3A_848 = arith.constant 0 : i32
      %dma_start3A_849 = tpu.memref_slice %arg8[%mul3A_772, %dma_start3A_848] : memref<512x64xf32, #tpu.memory_space<vmem_shared>> -> memref<32x64xf32, #tpu.memory_space<vmem_shared>>
      tpu.enqueue_dma source(%arg7 : memref<32x64xf32, #tpu.memory_space<vmem>>) target(%dma_start3A_849 : memref<32x64xf32, #tpu.memory_space<vmem_shared>>) target_semaphore(%run_scoped3A : memref<!tpu.dma_semaphore, #tpu.memory_space<semaphore_mem>>)
      %dma_wait3A = arith.constant 0 : i32
      %dma_wait3A_850 = tpu.memref_slice %arg8[%mul3A_772, %dma_wait3A] : memref<512x64xf32, #tpu.memory_space<vmem_shared>> -> memref<32x64xf32, #tpu.memory_space<vmem_shared>>
      %dma_wait3A_851 = arith.constant 0 : i32
      %dma_wait3A_852 = tpu.memref_slice %arg8[%mul3A_772, %dma_wait3A_851] : memref<512x64xf32, #tpu.memory_space<vmem_shared>> -> memref<32x64xf32, #tpu.memory_space<vmem_shared>>
      tpu.wait_dma2 semaphore(%run_scoped3A : memref<!tpu.dma_semaphore, #tpu.memory_space<semaphore_mem>>) src(%arg7 : memref<32x64xf32, #tpu.memory_space<vmem>>) dst(%dma_wait3A_852 : memref<32x64xf32, #tpu.memory_space<vmem_shared>>)
      tpu.yield
    }) : () -> ()
    "tpu.region"() ({
      %run_scoped3A = tpu.sem_alloc : memref<!tpu.dma_semaphore, #tpu.memory_space<semaphore_mem>>
      %dma_start3A_846 = arith.constant 0 : i32
      %dma_start3A_847 = arith.constant 0 : i32
      %dma_start3A_848 = tpu.memref_slice %arg3[%arg1, %dma_start3A_846, %dma_start3A_847] : memref<16x25x250xi32, #tpu.memory_space<hbm>> -> memref<1x25x250xi32, #tpu.memory_space<hbm>>
      %dma_start3A_849 = tpu.memref_squeeze %dma_start3A_848 : memref<1x25x250xi32, #tpu.memory_space<hbm>> -> memref<25x250xi32, #tpu.memory_space<hbm>>
      %dma_start3A_850 = arith.constant 0 : i32
      %dma_start3A_851 = arith.constant 0 : i32
      %dma_start3A_852 = tpu.memref_slice %arg3[%arg1, %dma_start3A_850, %dma_start3A_851] : memref<16x25x250xi32, #tpu.memory_space<hbm>> -> memref<1x25x250xi32, #tpu.memory_space<hbm>>
      %dma_start3A_853 = tpu.memref_squeeze %dma_start3A_852 : memref<1x25x250xi32, #tpu.memory_space<hbm>> -> memref<25x250xi32, #tpu.memory_space<hbm>>
      tpu.enqueue_dma source(%dma_start3A_853 : memref<25x250xi32, #tpu.memory_space<hbm>>) target(%arg5 : memref<25x250xi32, #tpu.memory_space<vmem>>) target_semaphore(%run_scoped3A : memref<!tpu.dma_semaphore, #tpu.memory_space<semaphore_mem>>)
      %dma_wait3A = arith.constant 0 : i32
      %dma_wait3A_854 = arith.constant 0 : i32
      %dma_wait3A_855 = tpu.memref_slice %arg3[%arg1, %dma_wait3A, %dma_wait3A_854] : memref<16x25x250xi32, #tpu.memory_space<hbm>> -> memref<1x25x250xi32, #tpu.memory_space<hbm>>
      %dma_wait3A_856 = tpu.memref_squeeze %dma_wait3A_855 : memref<1x25x250xi32, #tpu.memory_space<hbm>> -> memref<25x250xi32, #tpu.memory_space<hbm>>
      %dma_wait3A_857 = arith.constant 0 : i32
      %dma_wait3A_858 = arith.constant 0 : i32
      %dma_wait3A_859 = tpu.memref_slice %arg3[%arg1, %dma_wait3A_857, %dma_wait3A_858] : memref<16x25x250xi32, #tpu.memory_space<hbm>> -> memref<1x25x250xi32, #tpu.memory_space<hbm>>
      %dma_wait3A_860 = tpu.memref_squeeze %dma_wait3A_859 : memref<1x25x250xi32, #tpu.memory_space<hbm>> -> memref<25x250xi32, #tpu.memory_space<hbm>>
      tpu.wait_dma2 semaphore(%run_scoped3A : memref<!tpu.dma_semaphore, #tpu.memory_space<semaphore_mem>>) src(%dma_wait3A_860 : memref<25x250xi32, #tpu.memory_space<hbm>>) dst(%arg5 : memref<25x250xi32, #tpu.memory_space<vmem>>)
      tpu.yield
    }) : () -> ()
    %barrier3A = arith.constant 0 : index
    tpu.barrier barrier_id(%barrier3A)
    %add3A = arith.constant 0 : i32
    %add3A_773 = arith.addi %mul3A_2, %add3A : i32
    %dma_start3A = arith.constant 0 : i32
    %dma_start3A_774 = arith.constant 0 : i32
    %dma_start3A_775 = arith.constant 0 : i32
    %dma_start3A_776 = tpu.memref_slice %arg6[%dma_start3A, %dma_start3A_774, %dma_start3A_775] : memref<5x250x64xf32, #tpu.memory_space<vmem>> -> memref<1x250x64xf32, #tpu.memory_space<vmem>>
    %dma_start3A_777 = tpu.memref_squeeze %dma_start3A_776 : memref<1x250x64xf32, #tpu.memory_space<vmem>> -> memref<250x64xf32, #tpu.memory_space<vmem>>
    %dma_start3A_778 = tpu.memref_slice %arg2[%add3A_773, %mul3A_0] : memref<100000x128xf32, #tpu.memory_space<hbm>> -> memref<250x64xf32, #tpu.memory_space<hbm>>
    %dma_start3A_779 = arith.constant 0 : i32
    %dma_start3A_780 = arith.constant 0 : i32
    %dma_start3A_781 = tpu.memref_slice %arg6[%dma_start3A, %dma_start3A_779, %dma_start3A_780] : memref<5x250x64xf32, #tpu.memory_space<vmem>> -> memref<1x250x64xf32, #tpu.memory_space<vmem>>
    %dma_start3A_782 = tpu.memref_squeeze %dma_start3A_781 : memref<1x250x64xf32, #tpu.memory_space<vmem>> -> memref<250x64xf32, #tpu.memory_space<vmem>>
    %dma_start3A_783 = tpu.memref_slice %arg2[%add3A_773, %mul3A_0] : memref<100000x128xf32, #tpu.memory_space<hbm>> -> memref<250x64xf32, #tpu.memory_space<hbm>>
    tpu.enqueue_dma source(%dma_start3A_783 : memref<250x64xf32, #tpu.memory_space<hbm>>) target(%dma_start3A_782 : memref<250x64xf32, #tpu.memory_space<vmem>>) target_semaphore(%arg9 : memref<!tpu.dma_semaphore, #tpu.memory_space<semaphore_mem>>)
    %add3A_784 = arith.constant 250 : i32
    %add3A_785 = arith.addi %mul3A_2, %add3A_784 : i32
    %dma_start3A_786 = arith.constant 1 : i32
    %dma_start3A_787 = arith.constant 0 : i32
    %dma_start3A_788 = arith.constant 0 : i32
    %dma_start3A_789 = tpu.memref_slice %arg6[%dma_start3A_786, %dma_start3A_787, %dma_start3A_788] : memref<5x250x64xf32, #tpu.memory_space<vmem>> -> memref<1x250x64xf32, #tpu.memory_space<vmem>>
    %dma_start3A_790 = tpu.memref_squeeze %dma_start3A_789 : memref<1x250x64xf32, #tpu.memory_space<vmem>> -> memref<250x64xf32, #tpu.memory_space<vmem>>
    %dma_start3A_791 = tpu.memref_slice %arg2[%add3A_785, %mul3A_0] : memref<100000x128xf32, #tpu.memory_space<hbm>> -> memref<250x64xf32, #tpu.memory_space<hbm>>
    %dma_start3A_792 = arith.constant 0 : i32
    %dma_start3A_793 = arith.constant 0 : i32
    %dma_start3A_794 = tpu.memref_slice %arg6[%dma_start3A_786, %dma_start3A_792, %dma_start3A_793] : memref<5x250x64xf32, #tpu.memory_space<vmem>> -> memref<1x250x64xf32, #tpu.memory_space<vmem>>
    %dma_start3A_795 = tpu.memref_squeeze %dma_start3A_794 : memref<1x250x64xf32, #tpu.memory_space<vmem>> -> memref<250x64xf32, #tpu.memory_space<vmem>>
    %dma_start3A_796 = tpu.memref_slice %arg2[%add3A_785, %mul3A_0] : memref<100000x128xf32, #tpu.memory_space<hbm>> -> memref<250x64xf32, #tpu.memory_space<hbm>>
    tpu.enqueue_dma source(%dma_start3A_796 : memref<250x64xf32, #tpu.memory_space<hbm>>) target(%dma_start3A_795 : memref<250x64xf32, #tpu.memory_space<vmem>>) target_semaphore(%arg10 : memref<!tpu.dma_semaphore, #tpu.memory_space<semaphore_mem>>)
    %add3A_797 = arith.constant 500 : i32
    %add3A_798 = arith.addi %mul3A_2, %add3A_797 : i32
    %dma_start3A_799 = arith.constant 2 : i32
    %dma_start3A_800 = arith.constant 0 : i32
    %dma_start3A_801 = arith.constant 0 : i32
    %dma_start3A_802 = tpu.memref_slice %arg6[%dma_start3A_799, %dma_start3A_800, %dma_start3A_801] : memref<5x250x64xf32, #tpu.memory_space<vmem>> -> memref<1x250x64xf32, #tpu.memory_space<vmem>>
    %dma_start3A_803 = tpu.memref_squeeze %dma_start3A_802 : memref<1x250x64xf32, #tpu.memory_space<vmem>> -> memref<250x64xf32, #tpu.memory_space<vmem>>
    %dma_start3A_804 = tpu.memref_slice %arg2[%add3A_798, %mul3A_0] : memref<100000x128xf32, #tpu.memory_space<hbm>> -> memref<250x64xf32, #tpu.memory_space<hbm>>
    %dma_start3A_805 = arith.constant 0 : i32
    %dma_start3A_806 = arith.constant 0 : i32
    %dma_start3A_807 = tpu.memref_slice %arg6[%dma_start3A_799, %dma_start3A_805, %dma_start3A_806] : memref<5x250x64xf32, #tpu.memory_space<vmem>> -> memref<1x250x64xf32, #tpu.memory_space<vmem>>
    %dma_start3A_808 = tpu.memref_squeeze %dma_start3A_807 : memref<1x250x64xf32, #tpu.memory_space<vmem>> -> memref<250x64xf32, #tpu.memory_space<vmem>>
    %dma_start3A_809 = tpu.memref_slice %arg2[%add3A_798, %mul3A_0] : memref<100000x128xf32, #tpu.memory_space<hbm>> -> memref<250x64xf32, #tpu.memory_space<hbm>>
    tpu.enqueue_dma source(%dma_start3A_809 : memref<250x64xf32, #tpu.memory_space<hbm>>) target(%dma_start3A_808 : memref<250x64xf32, #tpu.memory_space<vmem>>) target_semaphore(%arg11 : memref<!tpu.dma_semaphore, #tpu.memory_space<semaphore_mem>>)
    %add3A_810 = arith.constant 750 : i32
    %add3A_811 = arith.addi %mul3A_2, %add3A_810 : i32
    %dma_start3A_812 = arith.constant 3 : i32
    %dma_start3A_813 = arith.constant 0 : i32
    %dma_start3A_814 = arith.constant 0 : i32
    %dma_start3A_815 = tpu.memref_slice %arg6[%dma_start3A_812, %dma_start3A_813, %dma_start3A_814] : memref<5x250x64xf32, #tpu.memory_space<vmem>> -> memref<1x250x64xf32, #tpu.memory_space<vmem>>
    %dma_start3A_816 = tpu.memref_squeeze %dma_start3A_815 : memref<1x250x64xf32, #tpu.memory_space<vmem>> -> memref<250x64xf32, #tpu.memory_space<vmem>>
    %dma_start3A_817 = tpu.memref_slice %arg2[%add3A_811, %mul3A_0] : memref<100000x128xf32, #tpu.memory_space<hbm>> -> memref<250x64xf32, #tpu.memory_space<hbm>>
    %dma_start3A_818 = arith.constant 0 : i32
    %dma_start3A_819 = arith.constant 0 : i32
    %dma_start3A_820 = tpu.memref_slice %arg6[%dma_start3A_812, %dma_start3A_818, %dma_start3A_819] : memref<5x250x64xf32, #tpu.memory_space<vmem>> -> memref<1x250x64xf32, #tpu.memory_space<vmem>>
    %dma_start3A_821 = tpu.memref_squeeze %dma_start3A_820 : memref<1x250x64xf32, #tpu.memory_space<vmem>> -> memref<250x64xf32, #tpu.memory_space<vmem>>
    %dma_start3A_822 = tpu.memref_slice %arg2[%add3A_811, %mul3A_0] : memref<100000x128xf32, #tpu.memory_space<hbm>> -> memref<250x64xf32, #tpu.memory_space<hbm>>
    tpu.enqueue_dma source(%dma_start3A_822 : memref<250x64xf32, #tpu.memory_space<hbm>>) target(%dma_start3A_821 : memref<250x64xf32, #tpu.memory_space<vmem>>) target_semaphore(%arg12 : memref<!tpu.dma_semaphore, #tpu.memory_space<semaphore_mem>>)
    %add3A_823 = arith.constant 1000 : i32
    %add3A_824 = arith.addi %mul3A_2, %add3A_823 : i32
    %dma_start3A_825 = arith.constant 4 : i32
    %dma_start3A_826 = arith.constant 0 : i32
    %dma_start3A_827 = arith.constant 0 : i32
    %dma_start3A_828 = tpu.memref_slice %arg6[%dma_start3A_825, %dma_start3A_826, %dma_start3A_827] : memref<5x250x64xf32, #tpu.memory_space<vmem>> -> memref<1x250x64xf32, #tpu.memory_space<vmem>>
    %dma_start3A_829 = tpu.memref_squeeze %dma_start3A_828 : memref<1x250x64xf32, #tpu.memory_space<vmem>> -> memref<250x64xf32, #tpu.memory_space<vmem>>
    %dma_start3A_830 = tpu.memref_slice %arg2[%add3A_824, %mul3A_0] : memref<100000x128xf32, #tpu.memory_space<hbm>> -> memref<250x64xf32, #tpu.memory_space<hbm>>
    %dma_start3A_831 = arith.constant 0 : i32
    %dma_start3A_832 = arith.constant 0 : i32
    %dma_start3A_833 = tpu.memref_slice %arg6[%dma_start3A_825, %dma_start3A_831, %dma_start3A_832] : memref<5x250x64xf32, #tpu.memory_space<vmem>> -> memref<1x250x64xf32, #tpu.memory_space<vmem>>
    %dma_start3A_834 = tpu.memref_squeeze %dma_start3A_833 : memref<1x250x64xf32, #tpu.memory_space<vmem>> -> memref<250x64xf32, #tpu.memory_space<vmem>>
    %dma_start3A_835 = tpu.memref_slice %arg2[%add3A_824, %mul3A_0] : memref<100000x128xf32, #tpu.memory_space<hbm>> -> memref<250x64xf32, #tpu.memory_space<hbm>>
    tpu.enqueue_dma source(%dma_start3A_835 : memref<250x64xf32, #tpu.memory_space<hbm>>) target(%dma_start3A_834 : memref<250x64xf32, #tpu.memory_space<vmem>>) target_semaphore(%arg13 : memref<!tpu.dma_semaphore, #tpu.memory_space<semaphore_mem>>)
    %scan3A = arith.constant 0 : i32
    %scan3A_836 = arith.constant 0 : i32
    %scan3A_837 = arith.constant 5 : i32
    %scan3A_838 = arith.addi %scan3A_836, %scan3A_837 : i32
    %scan3A_839 = arith.constant 1 : i32
    scf.for %scan3A_846 = %scan3A_836 to %scan3A_838 step %scan3A_839  : i32 {
      %mul3A_847 = arith.constant 5 : i32
      %mul3A_848 = arith.muli %mul3A_847, %scan3A_846 : i32
      %add3A_849 = arith.constant 0 : i32
      %add3A_850 = arith.addi %mul3A_848, %add3A_849 : i32
      %mul3A_851 = arith.constant 250 : i32
      %mul3A_852 = arith.muli %add3A_850, %mul3A_851 : i32
      %add3A_853 = arith.addi %mul3A_2, %mul3A_852 : i32
      %dma_wait3A = arith.constant 0 : i32
      %dma_wait3A_854 = arith.constant 0 : i32
      %dma_wait3A_855 = arith.constant 0 : i32
      %dma_wait3A_856 = tpu.memref_slice %arg6[%dma_wait3A, %dma_wait3A_854, %dma_wait3A_855] : memref<5x250x64xf32, #tpu.memory_space<vmem>> -> memref<1x250x64xf32, #tpu.memory_space<vmem>>
      %dma_wait3A_857 = tpu.memref_squeeze %dma_wait3A_856 : memref<1x250x64xf32, #tpu.memory_space<vmem>> -> memref<250x64xf32, #tpu.memory_space<vmem>>
      %dma_wait3A_858 = tpu.memref_slice %arg2[%add3A_853, %mul3A_0] : memref<100000x128xf32, #tpu.memory_space<hbm>> -> memref<250x64xf32, #tpu.memory_space<hbm>>
      %dma_wait3A_859 = arith.constant 0 : i32
      %dma_wait3A_860 = arith.constant 0 : i32
      %dma_wait3A_861 = tpu.memref_slice %arg6[%dma_wait3A, %dma_wait3A_859, %dma_wait3A_860] : memref<5x250x64xf32, #tpu.memory_space<vmem>> -> memref<1x250x64xf32, #tpu.memory_space<vmem>>
      %dma_wait3A_862 = tpu.memref_squeeze %dma_wait3A_861 : memref<1x250x64xf32, #tpu.memory_space<vmem>> -> memref<250x64xf32, #tpu.memory_space<vmem>>
      %dma_wait3A_863 = tpu.memref_slice %arg2[%add3A_853, %mul3A_0] : memref<100000x128xf32, #tpu.memory_space<hbm>> -> memref<250x64xf32, #tpu.memory_space<hbm>>
      tpu.wait_dma2 semaphore(%arg9 : memref<!tpu.dma_semaphore, #tpu.memory_space<semaphore_mem>>) src(%dma_wait3A_863 : memref<250x64xf32, #tpu.memory_space<hbm>>) dst(%dma_wait3A_862 : memref<250x64xf32, #tpu.memory_space<vmem>>)
      %add3A_864 = arith.constant 0 : i32
      %add3A_865 = arith.addi %mul3A_848, %add3A_864 : i32
      %dma_start3A_866 = arith.constant 0 : i32
      %dma_start3A_867 = arith.constant 0 : i32
      %dma_start3A_868 = arith.constant 0 : i32
      %dma_start3A_869 = tpu.memref_slice %arg6[%dma_start3A_866, %dma_start3A_867, %dma_start3A_868] : memref<5x250x64xf32, #tpu.memory_space<vmem>> -> memref<1x250x64xf32, #tpu.memory_space<vmem>>
      %dma_start3A_870 = tpu.memref_squeeze %dma_start3A_869 : memref<1x250x64xf32, #tpu.memory_space<vmem>> -> memref<250x64xf32, #tpu.memory_space<vmem>>
      %dma_start3A_871 = arith.constant 0 : i32
      %dma_start3A_872 = tpu.memref_slice %arg5[%add3A_865, %dma_start3A_871] : memref<25x250xi32, #tpu.memory_space<vmem>> -> memref<1x250xi32, #tpu.memory_space<vmem>>
      %dma_start3A_873 = tpu.memref_squeeze %dma_start3A_872 : memref<1x250xi32, #tpu.memory_space<vmem>> -> memref<250xi32, #tpu.memory_space<vmem>>
      %dma_start3A_874 = arith.constant 0 : i32
      %dma_start3A_875 = arith.constant 0 : i32
      %dma_start3A_876 = tpu.memref_slice %arg8[%dma_start3A_874, %dma_start3A_875] : memref<512x64xf32, #tpu.memory_space<vmem_shared>> -> memref<512x64xf32, #tpu.memory_space<vmem_shared>>
      tpu.enqueue_indirect_dma source(%dma_start3A_870 : memref<250x64xf32, #tpu.memory_space<vmem>>) target(%dma_start3A_876 : memref<512x64xf32, #tpu.memory_space<vmem_shared>>) offsets(%dma_start3A_873 : memref<250xi32, #tpu.memory_space<vmem>>) semaphore(%arg14 : memref<!tpu.dma_semaphore, #tpu.memory_space<semaphore_mem>>) {add = true}
      %dma_wait3A_877 = arith.constant 0 : i32
      %dma_wait3A_878 = arith.constant 0 : i32
      %dma_wait3A_879 = arith.constant 0 : i32
      %dma_wait3A_880 = tpu.memref_slice %arg6[%dma_wait3A_877, %dma_wait3A_878, %dma_wait3A_879] : memref<5x250x64xf32, #tpu.memory_space<vmem>> -> memref<1x250x64xf32, #tpu.memory_space<vmem>>
      %dma_wait3A_881 = tpu.memref_squeeze %dma_wait3A_880 : memref<1x250x64xf32, #tpu.memory_space<vmem>> -> memref<250x64xf32, #tpu.memory_space<vmem>>
      %dma_wait3A_882 = arith.constant 0 : i32
      %dma_wait3A_883 = tpu.memref_slice %arg5[%add3A_865, %dma_wait3A_882] : memref<25x250xi32, #tpu.memory_space<vmem>> -> memref<1x250xi32, #tpu.memory_space<vmem>>
      %dma_wait3A_884 = tpu.memref_squeeze %dma_wait3A_883 : memref<1x250xi32, #tpu.memory_space<vmem>> -> memref<250xi32, #tpu.memory_space<vmem>>
      %dma_wait3A_885 = arith.constant 0 : i32
      %dma_wait3A_886 = arith.constant 0 : i32
      %dma_wait3A_887 = tpu.memref_slice %arg8[%dma_wait3A_885, %dma_wait3A_886] : memref<512x64xf32, #tpu.memory_space<vmem_shared>> -> memref<512x64xf32, #tpu.memory_space<vmem_shared>>
      tpu.wait_indirect_dma semaphore(%arg14 : memref<!tpu.dma_semaphore, #tpu.memory_space<semaphore_mem>>) src(%dma_wait3A_881 : memref<250x64xf32, #tpu.memory_space<vmem>>) dst(%dma_wait3A_887 : memref<512x64xf32, #tpu.memory_space<vmem_shared>>)
      %add3A_888 = arith.constant 0 : i32
      %add3A_889 = arith.addi %mul3A_848, %add3A_888 : i32
      %add3A_890 = arith.constant 5 : i32
      %add3A_891 = arith.addi %add3A_889, %add3A_890 : i32
      %lt3A = arith.constant 25 : i32
      %lt3A_892 = arith.cmpi slt, %add3A_891, %lt3A : i32
      %convert_element_type3A = arith.extui %lt3A_892 : i1 to i32
      %cond3A = arith.constant 0 : i32
      %cond3A_893 = arith.cmpi ne, %convert_element_type3A, %cond3A : i32
      scf.if %cond3A_893 {
        %add3A_1090 = arith.constant 0 : i32
        %add3A_1091 = arith.addi %mul3A_848, %add3A_1090 : i32
        %add3A_1092 = arith.constant 5 : i32
        %add3A_1093 = arith.addi %add3A_1091, %add3A_1092 : i32
        %mul3A_1094 = arith.constant 250 : i32
        %mul3A_1095 = arith.muli %add3A_1093, %mul3A_1094 : i32
        %add3A_1096 = arith.addi %mul3A_2, %mul3A_1095 : i32
        %dma_start3A_1097 = arith.constant 0 : i32
        %dma_start3A_1098 = arith.constant 0 : i32
        %dma_start3A_1099 = arith.constant 0 : i32
        %dma_start3A_1100 = tpu.memref_slice %arg6[%dma_start3A_1097, %dma_start3A_1098, %dma_start3A_1099] : memref<5x250x64xf32, #tpu.memory_space<vmem>> -> memref<1x250x64xf32, #tpu.memory_space<vmem>>
        %dma_start3A_1101 = tpu.memref_squeeze %dma_start3A_1100 : memref<1x250x64xf32, #tpu.memory_space<vmem>> -> memref<250x64xf32, #tpu.memory_space<vmem>>
        %dma_start3A_1102 = tpu.memref_slice %arg2[%add3A_1096, %mul3A_0] : memref<100000x128xf32, #tpu.memory_space<hbm>> -> memref<250x64xf32, #tpu.memory_space<hbm>>
        %dma_start3A_1103 = arith.constant 0 : i32
        %dma_start3A_1104 = arith.constant 0 : i32
        %dma_start3A_1105 = tpu.memref_slice %arg6[%dma_start3A_1097, %dma_start3A_1103, %dma_start3A_1104] : memref<5x250x64xf32, #tpu.memory_space<vmem>> -> memref<1x250x64xf32, #tpu.memory_space<vmem>>
        %dma_start3A_1106 = tpu.memref_squeeze %dma_start3A_1105 : memref<1x250x64xf32, #tpu.memory_space<vmem>> -> memref<250x64xf32, #tpu.memory_space<vmem>>
        %dma_start3A_1107 = tpu.memref_slice %arg2[%add3A_1096, %mul3A_0] : memref<100000x128xf32, #tpu.memory_space<hbm>> -> memref<250x64xf32, #tpu.memory_space<hbm>>
        tpu.enqueue_dma source(%dma_start3A_1107 : memref<250x64xf32, #tpu.memory_space<hbm>>) target(%dma_start3A_1106 : memref<250x64xf32, #tpu.memory_space<vmem>>) target_semaphore(%arg9 : memref<!tpu.dma_semaphore, #tpu.memory_space<semaphore_mem>>)
      } else {
      }
      %add3A_894 = arith.constant 1 : i32
      %add3A_895 = arith.addi %mul3A_848, %add3A_894 : i32
      %mul3A_896 = arith.constant 250 : i32
      %mul3A_897 = arith.muli %add3A_895, %mul3A_896 : i32
      %add3A_898 = arith.addi %mul3A_2, %mul3A_897 : i32
      %dma_wait3A_899 = arith.constant 1 : i32
      %dma_wait3A_900 = arith.constant 0 : i32
      %dma_wait3A_901 = arith.constant 0 : i32
      %dma_wait3A_902 = tpu.memref_slice %arg6[%dma_wait3A_899, %dma_wait3A_900, %dma_wait3A_901] : memref<5x250x64xf32, #tpu.memory_space<vmem>> -> memref<1x250x64xf32, #tpu.memory_space<vmem>>
      %dma_wait3A_903 = tpu.memref_squeeze %dma_wait3A_902 : memref<1x250x64xf32, #tpu.memory_space<vmem>> -> memref<250x64xf32, #tpu.memory_space<vmem>>
      %dma_wait3A_904 = tpu.memref_slice %arg2[%add3A_898, %mul3A_0] : memref<100000x128xf32, #tpu.memory_space<hbm>> -> memref<250x64xf32, #tpu.memory_space<hbm>>
      %dma_wait3A_905 = arith.constant 0 : i32
      %dma_wait3A_906 = arith.constant 0 : i32
      %dma_wait3A_907 = tpu.memref_slice %arg6[%dma_wait3A_899, %dma_wait3A_905, %dma_wait3A_906] : memref<5x250x64xf32, #tpu.memory_space<vmem>> -> memref<1x250x64xf32, #tpu.memory_space<vmem>>
      %dma_wait3A_908 = tpu.memref_squeeze %dma_wait3A_907 : memref<1x250x64xf32, #tpu.memory_space<vmem>> -> memref<250x64xf32, #tpu.memory_space<vmem>>
      %dma_wait3A_909 = tpu.memref_slice %arg2[%add3A_898, %mul3A_0] : memref<100000x128xf32, #tpu.memory_space<hbm>> -> memref<250x64xf32, #tpu.memory_space<hbm>>
      tpu.wait_dma2 semaphore(%arg10 : memref<!tpu.dma_semaphore, #tpu.memory_space<semaphore_mem>>) src(%dma_wait3A_909 : memref<250x64xf32, #tpu.memory_space<hbm>>) dst(%dma_wait3A_908 : memref<250x64xf32, #tpu.memory_space<vmem>>)
      %add3A_910 = arith.constant 1 : i32
      %add3A_911 = arith.addi %mul3A_848, %add3A_910 : i32
      %dma_start3A_912 = arith.constant 1 : i32
      %dma_start3A_913 = arith.constant 0 : i32
      %dma_start3A_914 = arith.constant 0 : i32
      %dma_start3A_915 = tpu.memref_slice %arg6[%dma_start3A_912, %dma_start3A_913, %dma_start3A_914] : memref<5x250x64xf32, #tpu.memory_space<vmem>> -> memref<1x250x64xf32, #tpu.memory_space<vmem>>
      %dma_start3A_916 = tpu.memref_squeeze %dma_start3A_915 : memref<1x250x64xf32, #tpu.memory_space<vmem>> -> memref<250x64xf32, #tpu.memory_space<vmem>>
      %dma_start3A_917 = arith.constant 0 : i32
      %dma_start3A_918 = tpu.memref_slice %arg5[%add3A_911, %dma_start3A_917] : memref<25x250xi32, #tpu.memory_space<vmem>> -> memref<1x250xi32, #tpu.memory_space<vmem>>
      %dma_start3A_919 = tpu.memref_squeeze %dma_start3A_918 : memref<1x250xi32, #tpu.memory_space<vmem>> -> memref<250xi32, #tpu.memory_space<vmem>>
      %dma_start3A_920 = arith.constant 0 : i32
      %dma_start3A_921 = arith.constant 0 : i32
      %dma_start3A_922 = tpu.memref_slice %arg8[%dma_start3A_920, %dma_start3A_921] : memref<512x64xf32, #tpu.memory_space<vmem_shared>> -> memref<512x64xf32, #tpu.memory_space<vmem_shared>>
      tpu.enqueue_indirect_dma source(%dma_start3A_916 : memref<250x64xf32, #tpu.memory_space<vmem>>) target(%dma_start3A_922 : memref<512x64xf32, #tpu.memory_space<vmem_shared>>) offsets(%dma_start3A_919 : memref<250xi32, #tpu.memory_space<vmem>>) semaphore(%arg14 : memref<!tpu.dma_semaphore, #tpu.memory_space<semaphore_mem>>) {add = true}
      %dma_wait3A_923 = arith.constant 1 : i32
      %dma_wait3A_924 = arith.constant 0 : i32
      %dma_wait3A_925 = arith.constant 0 : i32
      %dma_wait3A_926 = tpu.memref_slice %arg6[%dma_wait3A_923, %dma_wait3A_924, %dma_wait3A_925] : memref<5x250x64xf32, #tpu.memory_space<vmem>> -> memref<1x250x64xf32, #tpu.memory_space<vmem>>
      %dma_wait3A_927 = tpu.memref_squeeze %dma_wait3A_926 : memref<1x250x64xf32, #tpu.memory_space<vmem>> -> memref<250x64xf32, #tpu.memory_space<vmem>>
      %dma_wait3A_928 = arith.constant 0 : i32
      %dma_wait3A_929 = tpu.memref_slice %arg5[%add3A_911, %dma_wait3A_928] : memref<25x250xi32, #tpu.memory_space<vmem>> -> memref<1x250xi32, #tpu.memory_space<vmem>>
      %dma_wait3A_930 = tpu.memref_squeeze %dma_wait3A_929 : memref<1x250xi32, #tpu.memory_space<vmem>> -> memref<250xi32, #tpu.memory_space<vmem>>
      %dma_wait3A_931 = arith.constant 0 : i32
      %dma_wait3A_932 = arith.constant 0 : i32
      %dma_wait3A_933 = tpu.memref_slice %arg8[%dma_wait3A_931, %dma_wait3A_932] : memref<512x64xf32, #tpu.memory_space<vmem_shared>> -> memref<512x64xf32, #tpu.memory_space<vmem_shared>>
      tpu.wait_indirect_dma semaphore(%arg14 : memref<!tpu.dma_semaphore, #tpu.memory_space<semaphore_mem>>) src(%dma_wait3A_927 : memref<250x64xf32, #tpu.memory_space<vmem>>) dst(%dma_wait3A_933 : memref<512x64xf32, #tpu.memory_space<vmem_shared>>)
      %add3A_934 = arith.constant 1 : i32
      %add3A_935 = arith.addi %mul3A_848, %add3A_934 : i32
      %add3A_936 = arith.constant 5 : i32
      %add3A_937 = arith.addi %add3A_935, %add3A_936 : i32
      %lt3A_938 = arith.constant 25 : i32
      %lt3A_939 = arith.cmpi slt, %add3A_937, %lt3A_938 : i32
      %convert_element_type3A_940 = arith.extui %lt3A_939 : i1 to i32
      %cond3A_941 = arith.constant 0 : i32
      %cond3A_942 = arith.cmpi ne, %convert_element_type3A_940, %cond3A_941 : i32
      scf.if %cond3A_942 {
        %add3A_1090 = arith.constant 1 : i32
        %add3A_1091 = arith.addi %mul3A_848, %add3A_1090 : i32
        %add3A_1092 = arith.constant 5 : i32
        %add3A_1093 = arith.addi %add3A_1091, %add3A_1092 : i32
        %mul3A_1094 = arith.constant 250 : i32
        %mul3A_1095 = arith.muli %add3A_1093, %mul3A_1094 : i32
        %add3A_1096 = arith.addi %mul3A_2, %mul3A_1095 : i32
        %dma_start3A_1097 = arith.constant 1 : i32
        %dma_start3A_1098 = arith.constant 0 : i32
        %dma_start3A_1099 = arith.constant 0 : i32
        %dma_start3A_1100 = tpu.memref_slice %arg6[%dma_start3A_1097, %dma_start3A_1098, %dma_start3A_1099] : memref<5x250x64xf32, #tpu.memory_space<vmem>> -> memref<1x250x64xf32, #tpu.memory_space<vmem>>
        %dma_start3A_1101 = tpu.memref_squeeze %dma_start3A_1100 : memref<1x250x64xf32, #tpu.memory_space<vmem>> -> memref<250x64xf32, #tpu.memory_space<vmem>>
        %dma_start3A_1102 = tpu.memref_slice %arg2[%add3A_1096, %mul3A_0] : memref<100000x128xf32, #tpu.memory_space<hbm>> -> memref<250x64xf32, #tpu.memory_space<hbm>>
        %dma_start3A_1103 = arith.constant 0 : i32
        %dma_start3A_1104 = arith.constant 0 : i32
        %dma_start3A_1105 = tpu.memref_slice %arg6[%dma_start3A_1097, %dma_start3A_1103, %dma_start3A_1104] : memref<5x250x64xf32, #tpu.memory_space<vmem>> -> memref<1x250x64xf32, #tpu.memory_space<vmem>>
        %dma_start3A_1106 = tpu.memref_squeeze %dma_start3A_1105 : memref<1x250x64xf32, #tpu.memory_space<vmem>> -> memref<250x64xf32, #tpu.memory_space<vmem>>
        %dma_start3A_1107 = tpu.memref_slice %arg2[%add3A_1096, %mul3A_0] : memref<100000x128xf32, #tpu.memory_space<hbm>> -> memref<250x64xf32, #tpu.memory_space<hbm>>
        tpu.enqueue_dma source(%dma_start3A_1107 : memref<250x64xf32, #tpu.memory_space<hbm>>) target(%dma_start3A_1106 : memref<250x64xf32, #tpu.memory_space<vmem>>) target_semaphore(%arg10 : memref<!tpu.dma_semaphore, #tpu.memory_space<semaphore_mem>>)
      } else {
      }
      %add3A_943 = arith.constant 2 : i32
      %add3A_944 = arith.addi %mul3A_848, %add3A_943 : i32
      %mul3A_945 = arith.constant 250 : i32
      %mul3A_946 = arith.muli %add3A_944, %mul3A_945 : i32
      %add3A_947 = arith.addi %mul3A_2, %mul3A_946 : i32
      %dma_wait3A_948 = arith.constant 2 : i32
      %dma_wait3A_949 = arith.constant 0 : i32
      %dma_wait3A_950 = arith.constant 0 : i32
      %dma_wait3A_951 = tpu.memref_slice %arg6[%dma_wait3A_948, %dma_wait3A_949, %dma_wait3A_950] : memref<5x250x64xf32, #tpu.memory_space<vmem>> -> memref<1x250x64xf32, #tpu.memory_space<vmem>>
      %dma_wait3A_952 = tpu.memref_squeeze %dma_wait3A_951 : memref<1x250x64xf32, #tpu.memory_space<vmem>> -> memref<250x64xf32, #tpu.memory_space<vmem>>
      %dma_wait3A_953 = tpu.memref_slice %arg2[%add3A_947, %mul3A_0] : memref<100000x128xf32, #tpu.memory_space<hbm>> -> memref<250x64xf32, #tpu.memory_space<hbm>>
      %dma_wait3A_954 = arith.constant 0 : i32
      %dma_wait3A_955 = arith.constant 0 : i32
      %dma_wait3A_956 = tpu.memref_slice %arg6[%dma_wait3A_948, %dma_wait3A_954, %dma_wait3A_955] : memref<5x250x64xf32, #tpu.memory_space<vmem>> -> memref<1x250x64xf32, #tpu.memory_space<vmem>>
      %dma_wait3A_957 = tpu.memref_squeeze %dma_wait3A_956 : memref<1x250x64xf32, #tpu.memory_space<vmem>> -> memref<250x64xf32, #tpu.memory_space<vmem>>
      %dma_wait3A_958 = tpu.memref_slice %arg2[%add3A_947, %mul3A_0] : memref<100000x128xf32, #tpu.memory_space<hbm>> -> memref<250x64xf32, #tpu.memory_space<hbm>>
      tpu.wait_dma2 semaphore(%arg11 : memref<!tpu.dma_semaphore, #tpu.memory_space<semaphore_mem>>) src(%dma_wait3A_958 : memref<250x64xf32, #tpu.memory_space<hbm>>) dst(%dma_wait3A_957 : memref<250x64xf32, #tpu.memory_space<vmem>>)
      %add3A_959 = arith.constant 2 : i32
      %add3A_960 = arith.addi %mul3A_848, %add3A_959 : i32
      %dma_start3A_961 = arith.constant 2 : i32
      %dma_start3A_962 = arith.constant 0 : i32
      %dma_start3A_963 = arith.constant 0 : i32
      %dma_start3A_964 = tpu.memref_slice %arg6[%dma_start3A_961, %dma_start3A_962, %dma_start3A_963] : memref<5x250x64xf32, #tpu.memory_space<vmem>> -> memref<1x250x64xf32, #tpu.memory_space<vmem>>
      %dma_start3A_965 = tpu.memref_squeeze %dma_start3A_964 : memref<1x250x64xf32, #tpu.memory_space<vmem>> -> memref<250x64xf32, #tpu.memory_space<vmem>>
      %dma_start3A_966 = arith.constant 0 : i32
      %dma_start3A_967 = tpu.memref_slice %arg5[%add3A_960, %dma_start3A_966] : memref<25x250xi32, #tpu.memory_space<vmem>> -> memref<1x250xi32, #tpu.memory_space<vmem>>
      %dma_start3A_968 = tpu.memref_squeeze %dma_start3A_967 : memref<1x250xi32, #tpu.memory_space<vmem>> -> memref<250xi32, #tpu.memory_space<vmem>>
      %dma_start3A_969 = arith.constant 0 : i32
      %dma_start3A_970 = arith.constant 0 : i32
      %dma_start3A_971 = tpu.memref_slice %arg8[%dma_start3A_969, %dma_start3A_970] : memref<512x64xf32, #tpu.memory_space<vmem_shared>> -> memref<512x64xf32, #tpu.memory_space<vmem_shared>>
      tpu.enqueue_indirect_dma source(%dma_start3A_965 : memref<250x64xf32, #tpu.memory_space<vmem>>) target(%dma_start3A_971 : memref<512x64xf32, #tpu.memory_space<vmem_shared>>) offsets(%dma_start3A_968 : memref<250xi32, #tpu.memory_space<vmem>>) semaphore(%arg14 : memref<!tpu.dma_semaphore, #tpu.memory_space<semaphore_mem>>) {add = true}
      %dma_wait3A_972 = arith.constant 2 : i32
      %dma_wait3A_973 = arith.constant 0 : i32
      %dma_wait3A_974 = arith.constant 0 : i32
      %dma_wait3A_975 = tpu.memref_slice %arg6[%dma_wait3A_972, %dma_wait3A_973, %dma_wait3A_974] : memref<5x250x64xf32, #tpu.memory_space<vmem>> -> memref<1x250x64xf32, #tpu.memory_space<vmem>>
      %dma_wait3A_976 = tpu.memref_squeeze %dma_wait3A_975 : memref<1x250x64xf32, #tpu.memory_space<vmem>> -> memref<250x64xf32, #tpu.memory_space<vmem>>
      %dma_wait3A_977 = arith.constant 0 : i32
      %dma_wait3A_978 = tpu.memref_slice %arg5[%add3A_960, %dma_wait3A_977] : memref<25x250xi32, #tpu.memory_space<vmem>> -> memref<1x250xi32, #tpu.memory_space<vmem>>
      %dma_wait3A_979 = tpu.memref_squeeze %dma_wait3A_978 : memref<1x250xi32, #tpu.memory_space<vmem>> -> memref<250xi32, #tpu.memory_space<vmem>>
      %dma_wait3A_980 = arith.constant 0 : i32
      %dma_wait3A_981 = arith.constant 0 : i32
      %dma_wait3A_982 = tpu.memref_slice %arg8[%dma_wait3A_980, %dma_wait3A_981] : memref<512x64xf32, #tpu.memory_space<vmem_shared>> -> memref<512x64xf32, #tpu.memory_space<vmem_shared>>
      tpu.wait_indirect_dma semaphore(%arg14 : memref<!tpu.dma_semaphore, #tpu.memory_space<semaphore_mem>>) src(%dma_wait3A_976 : memref<250x64xf32, #tpu.memory_space<vmem>>) dst(%dma_wait3A_982 : memref<512x64xf32, #tpu.memory_space<vmem_shared>>)
      %add3A_983 = arith.constant 2 : i32
      %add3A_984 = arith.addi %mul3A_848, %add3A_983 : i32
      %add3A_985 = arith.constant 5 : i32
      %add3A_986 = arith.addi %add3A_984, %add3A_985 : i32
      %lt3A_987 = arith.constant 25 : i32
      %lt3A_988 = arith.cmpi slt, %add3A_986, %lt3A_987 : i32
      %convert_element_type3A_989 = arith.extui %lt3A_988 : i1 to i32
      %cond3A_990 = arith.constant 0 : i32
      %cond3A_991 = arith.cmpi ne, %convert_element_type3A_989, %cond3A_990 : i32
      scf.if %cond3A_991 {
        %add3A_1090 = arith.constant 2 : i32
        %add3A_1091 = arith.addi %mul3A_848, %add3A_1090 : i32
        %add3A_1092 = arith.constant 5 : i32
        %add3A_1093 = arith.addi %add3A_1091, %add3A_1092 : i32
        %mul3A_1094 = arith.constant 250 : i32
        %mul3A_1095 = arith.muli %add3A_1093, %mul3A_1094 : i32
        %add3A_1096 = arith.addi %mul3A_2, %mul3A_1095 : i32
        %dma_start3A_1097 = arith.constant 2 : i32
        %dma_start3A_1098 = arith.constant 0 : i32
        %dma_start3A_1099 = arith.constant 0 : i32
        %dma_start3A_1100 = tpu.memref_slice %arg6[%dma_start3A_1097, %dma_start3A_1098, %dma_start3A_1099] : memref<5x250x64xf32, #tpu.memory_space<vmem>> -> memref<1x250x64xf32, #tpu.memory_space<vmem>>
        %dma_start3A_1101 = tpu.memref_squeeze %dma_start3A_1100 : memref<1x250x64xf32, #tpu.memory_space<vmem>> -> memref<250x64xf32, #tpu.memory_space<vmem>>
        %dma_start3A_1102 = tpu.memref_slice %arg2[%add3A_1096, %mul3A_0] : memref<100000x128xf32, #tpu.memory_space<hbm>> -> memref<250x64xf32, #tpu.memory_space<hbm>>
        %dma_start3A_1103 = arith.constant 0 : i32
        %dma_start3A_1104 = arith.constant 0 : i32
        %dma_start3A_1105 = tpu.memref_slice %arg6[%dma_start3A_1097, %dma_start3A_1103, %dma_start3A_1104] : memref<5x250x64xf32, #tpu.memory_space<vmem>> -> memref<1x250x64xf32, #tpu.memory_space<vmem>>
        %dma_start3A_1106 = tpu.memref_squeeze %dma_start3A_1105 : memref<1x250x64xf32, #tpu.memory_space<vmem>> -> memref<250x64xf32, #tpu.memory_space<vmem>>
        %dma_start3A_1107 = tpu.memref_slice %arg2[%add3A_1096, %mul3A_0] : memref<100000x128xf32, #tpu.memory_space<hbm>> -> memref<250x64xf32, #tpu.memory_space<hbm>>
        tpu.enqueue_dma source(%dma_start3A_1107 : memref<250x64xf32, #tpu.memory_space<hbm>>) target(%dma_start3A_1106 : memref<250x64xf32, #tpu.memory_space<vmem>>) target_semaphore(%arg11 : memref<!tpu.dma_semaphore, #tpu.memory_space<semaphore_mem>>)
      } else {
      }
      %add3A_992 = arith.constant 3 : i32
      %add3A_993 = arith.addi %mul3A_848, %add3A_992 : i32
      %mul3A_994 = arith.constant 250 : i32
      %mul3A_995 = arith.muli %add3A_993, %mul3A_994 : i32
      %add3A_996 = arith.addi %mul3A_2, %mul3A_995 : i32
      %dma_wait3A_997 = arith.constant 3 : i32
      %dma_wait3A_998 = arith.constant 0 : i32
      %dma_wait3A_999 = arith.constant 0 : i32
      %dma_wait3A_1000 = tpu.memref_slice %arg6[%dma_wait3A_997, %dma_wait3A_998, %dma_wait3A_999] : memref<5x250x64xf32, #tpu.memory_space<vmem>> -> memref<1x250x64xf32, #tpu.memory_space<vmem>>
      %dma_wait3A_1001 = tpu.memref_squeeze %dma_wait3A_1000 : memref<1x250x64xf32, #tpu.memory_space<vmem>> -> memref<250x64xf32, #tpu.memory_space<vmem>>
      %dma_wait3A_1002 = tpu.memref_slice %arg2[%add3A_996, %mul3A_0] : memref<100000x128xf32, #tpu.memory_space<hbm>> -> memref<250x64xf32, #tpu.memory_space<hbm>>
      %dma_wait3A_1003 = arith.constant 0 : i32
      %dma_wait3A_1004 = arith.constant 0 : i32
      %dma_wait3A_1005 = tpu.memref_slice %arg6[%dma_wait3A_997, %dma_wait3A_1003, %dma_wait3A_1004] : memref<5x250x64xf32, #tpu.memory_space<vmem>> -> memref<1x250x64xf32, #tpu.memory_space<vmem>>
      %dma_wait3A_1006 = tpu.memref_squeeze %dma_wait3A_1005 : memref<1x250x64xf32, #tpu.memory_space<vmem>> -> memref<250x64xf32, #tpu.memory_space<vmem>>
      %dma_wait3A_1007 = tpu.memref_slice %arg2[%add3A_996, %mul3A_0] : memref<100000x128xf32, #tpu.memory_space<hbm>> -> memref<250x64xf32, #tpu.memory_space<hbm>>
      tpu.wait_dma2 semaphore(%arg12 : memref<!tpu.dma_semaphore, #tpu.memory_space<semaphore_mem>>) src(%dma_wait3A_1007 : memref<250x64xf32, #tpu.memory_space<hbm>>) dst(%dma_wait3A_1006 : memref<250x64xf32, #tpu.memory_space<vmem>>)
      %add3A_1008 = arith.constant 3 : i32
      %add3A_1009 = arith.addi %mul3A_848, %add3A_1008 : i32
      %dma_start3A_1010 = arith.constant 3 : i32
      %dma_start3A_1011 = arith.constant 0 : i32
      %dma_start3A_1012 = arith.constant 0 : i32
      %dma_start3A_1013 = tpu.memref_slice %arg6[%dma_start3A_1010, %dma_start3A_1011, %dma_start3A_1012] : memref<5x250x64xf32, #tpu.memory_space<vmem>> -> memref<1x250x64xf32, #tpu.memory_space<vmem>>
      %dma_start3A_1014 = tpu.memref_squeeze %dma_start3A_1013 : memref<1x250x64xf32, #tpu.memory_space<vmem>> -> memref<250x64xf32, #tpu.memory_space<vmem>>
      %dma_start3A_1015 = arith.constant 0 : i32
      %dma_start3A_1016 = tpu.memref_slice %arg5[%add3A_1009, %dma_start3A_1015] : memref<25x250xi32, #tpu.memory_space<vmem>> -> memref<1x250xi32, #tpu.memory_space<vmem>>
      %dma_start3A_1017 = tpu.memref_squeeze %dma_start3A_1016 : memref<1x250xi32, #tpu.memory_space<vmem>> -> memref<250xi32, #tpu.memory_space<vmem>>
      %dma_start3A_1018 = arith.constant 0 : i32
      %dma_start3A_1019 = arith.constant 0 : i32
      %dma_start3A_1020 = tpu.memref_slice %arg8[%dma_start3A_1018, %dma_start3A_1019] : memref<512x64xf32, #tpu.memory_space<vmem_shared>> -> memref<512x64xf32, #tpu.memory_space<vmem_shared>>
      tpu.enqueue_indirect_dma source(%dma_start3A_1014 : memref<250x64xf32, #tpu.memory_space<vmem>>) target(%dma_start3A_1020 : memref<512x64xf32, #tpu.memory_space<vmem_shared>>) offsets(%dma_start3A_1017 : memref<250xi32, #tpu.memory_space<vmem>>) semaphore(%arg14 : memref<!tpu.dma_semaphore, #tpu.memory_space<semaphore_mem>>) {add = true}
      %dma_wait3A_1021 = arith.constant 3 : i32
      %dma_wait3A_1022 = arith.constant 0 : i32
      %dma_wait3A_1023 = arith.constant 0 : i32
      %dma_wait3A_1024 = tpu.memref_slice %arg6[%dma_wait3A_1021, %dma_wait3A_1022, %dma_wait3A_1023] : memref<5x250x64xf32, #tpu.memory_space<vmem>> -> memref<1x250x64xf32, #tpu.memory_space<vmem>>
      %dma_wait3A_1025 = tpu.memref_squeeze %dma_wait3A_1024 : memref<1x250x64xf32, #tpu.memory_space<vmem>> -> memref<250x64xf32, #tpu.memory_space<vmem>>
      %dma_wait3A_1026 = arith.constant 0 : i32
      %dma_wait3A_1027 = tpu.memref_slice %arg5[%add3A_1009, %dma_wait3A_1026] : memref<25x250xi32, #tpu.memory_space<vmem>> -> memref<1x250xi32, #tpu.memory_space<vmem>>
      %dma_wait3A_1028 = tpu.memref_squeeze %dma_wait3A_1027 : memref<1x250xi32, #tpu.memory_space<vmem>> -> memref<250xi32, #tpu.memory_space<vmem>>
      %dma_wait3A_1029 = arith.constant 0 : i32
      %dma_wait3A_1030 = arith.constant 0 : i32
      %dma_wait3A_1031 = tpu.memref_slice %arg8[%dma_wait3A_1029, %dma_wait3A_1030] : memref<512x64xf32, #tpu.memory_space<vmem_shared>> -> memref<512x64xf32, #tpu.memory_space<vmem_shared>>
      tpu.wait_indirect_dma semaphore(%arg14 : memref<!tpu.dma_semaphore, #tpu.memory_space<semaphore_mem>>) src(%dma_wait3A_1025 : memref<250x64xf32, #tpu.memory_space<vmem>>) dst(%dma_wait3A_1031 : memref<512x64xf32, #tpu.memory_space<vmem_shared>>)
      %add3A_1032 = arith.constant 3 : i32
      %add3A_1033 = arith.addi %mul3A_848, %add3A_1032 : i32
      %add3A_1034 = arith.constant 5 : i32
      %add3A_1035 = arith.addi %add3A_1033, %add3A_1034 : i32
      %lt3A_1036 = arith.constant 25 : i32
      %lt3A_1037 = arith.cmpi slt, %add3A_1035, %lt3A_1036 : i32
      %convert_element_type3A_1038 = arith.extui %lt3A_1037 : i1 to i32
      %cond3A_1039 = arith.constant 0 : i32
      %cond3A_1040 = arith.cmpi ne, %convert_element_type3A_1038, %cond3A_1039 : i32
      scf.if %cond3A_1040 {
        %add3A_1090 = arith.constant 3 : i32
        %add3A_1091 = arith.addi %mul3A_848, %add3A_1090 : i32
        %add3A_1092 = arith.constant 5 : i32
        %add3A_1093 = arith.addi %add3A_1091, %add3A_1092 : i32
        %mul3A_1094 = arith.constant 250 : i32
        %mul3A_1095 = arith.muli %add3A_1093, %mul3A_1094 : i32
        %add3A_1096 = arith.addi %mul3A_2, %mul3A_1095 : i32
        %dma_start3A_1097 = arith.constant 3 : i32
        %dma_start3A_1098 = arith.constant 0 : i32
        %dma_start3A_1099 = arith.constant 0 : i32
        %dma_start3A_1100 = tpu.memref_slice %arg6[%dma_start3A_1097, %dma_start3A_1098, %dma_start3A_1099] : memref<5x250x64xf32, #tpu.memory_space<vmem>> -> memref<1x250x64xf32, #tpu.memory_space<vmem>>
        %dma_start3A_1101 = tpu.memref_squeeze %dma_start3A_1100 : memref<1x250x64xf32, #tpu.memory_space<vmem>> -> memref<250x64xf32, #tpu.memory_space<vmem>>
        %dma_start3A_1102 = tpu.memref_slice %arg2[%add3A_1096, %mul3A_0] : memref<100000x128xf32, #tpu.memory_space<hbm>> -> memref<250x64xf32, #tpu.memory_space<hbm>>
        %dma_start3A_1103 = arith.constant 0 : i32
        %dma_start3A_1104 = arith.constant 0 : i32
        %dma_start3A_1105 = tpu.memref_slice %arg6[%dma_start3A_1097, %dma_start3A_1103, %dma_start3A_1104] : memref<5x250x64xf32, #tpu.memory_space<vmem>> -> memref<1x250x64xf32, #tpu.memory_space<vmem>>
        %dma_start3A_1106 = tpu.memref_squeeze %dma_start3A_1105 : memref<1x250x64xf32, #tpu.memory_space<vmem>> -> memref<250x64xf32, #tpu.memory_space<vmem>>
        %dma_start3A_1107 = tpu.memref_slice %arg2[%add3A_1096, %mul3A_0] : memref<100000x128xf32, #tpu.memory_space<hbm>> -> memref<250x64xf32, #tpu.memory_space<hbm>>
        tpu.enqueue_dma source(%dma_start3A_1107 : memref<250x64xf32, #tpu.memory_space<hbm>>) target(%dma_start3A_1106 : memref<250x64xf32, #tpu.memory_space<vmem>>) target_semaphore(%arg12 : memref<!tpu.dma_semaphore, #tpu.memory_space<semaphore_mem>>)
      } else {
      }
      %add3A_1041 = arith.constant 4 : i32
      %add3A_1042 = arith.addi %mul3A_848, %add3A_1041 : i32
      %mul3A_1043 = arith.constant 250 : i32
      %mul3A_1044 = arith.muli %add3A_1042, %mul3A_1043 : i32
      %add3A_1045 = arith.addi %mul3A_2, %mul3A_1044 : i32
      %dma_wait3A_1046 = arith.constant 4 : i32
      %dma_wait3A_1047 = arith.constant 0 : i32
      %dma_wait3A_1048 = arith.constant 0 : i32
      %dma_wait3A_1049 = tpu.memref_slice %arg6[%dma_wait3A_1046, %dma_wait3A_1047, %dma_wait3A_1048] : memref<5x250x64xf32, #tpu.memory_space<vmem>> -> memref<1x250x64xf32, #tpu.memory_space<vmem>>
      %dma_wait3A_1050 = tpu.memref_squeeze %dma_wait3A_1049 : memref<1x250x64xf32, #tpu.memory_space<vmem>> -> memref<250x64xf32, #tpu.memory_space<vmem>>
      %dma_wait3A_1051 = tpu.memref_slice %arg2[%add3A_1045, %mul3A_0] : memref<100000x128xf32, #tpu.memory_space<hbm>> -> memref<250x64xf32, #tpu.memory_space<hbm>>
      %dma_wait3A_1052 = arith.constant 0 : i32
      %dma_wait3A_1053 = arith.constant 0 : i32
      %dma_wait3A_1054 = tpu.memref_slice %arg6[%dma_wait3A_1046, %dma_wait3A_1052, %dma_wait3A_1053] : memref<5x250x64xf32, #tpu.memory_space<vmem>> -> memref<1x250x64xf32, #tpu.memory_space<vmem>>
      %dma_wait3A_1055 = tpu.memref_squeeze %dma_wait3A_1054 : memref<1x250x64xf32, #tpu.memory_space<vmem>> -> memref<250x64xf32, #tpu.memory_space<vmem>>
      %dma_wait3A_1056 = tpu.memref_slice %arg2[%add3A_1045, %mul3A_0] : memref<100000x128xf32, #tpu.memory_space<hbm>> -> memref<250x64xf32, #tpu.memory_space<hbm>>
      tpu.wait_dma2 semaphore(%arg13 : memref<!tpu.dma_semaphore, #tpu.memory_space<semaphore_mem>>) src(%dma_wait3A_1056 : memref<250x64xf32, #tpu.memory_space<hbm>>) dst(%dma_wait3A_1055 : memref<250x64xf32, #tpu.memory_space<vmem>>)
      %add3A_1057 = arith.constant 4 : i32
      %add3A_1058 = arith.addi %mul3A_848, %add3A_1057 : i32
      %dma_start3A_1059 = arith.constant 4 : i32
      %dma_start3A_1060 = arith.constant 0 : i32
      %dma_start3A_1061 = arith.constant 0 : i32
      %dma_start3A_1062 = tpu.memref_slice %arg6[%dma_start3A_1059, %dma_start3A_1060, %dma_start3A_1061] : memref<5x250x64xf32, #tpu.memory_space<vmem>> -> memref<1x250x64xf32, #tpu.memory_space<vmem>>
      %dma_start3A_1063 = tpu.memref_squeeze %dma_start3A_1062 : memref<1x250x64xf32, #tpu.memory_space<vmem>> -> memref<250x64xf32, #tpu.memory_space<vmem>>
      %dma_start3A_1064 = arith.constant 0 : i32
      %dma_start3A_1065 = tpu.memref_slice %arg5[%add3A_1058, %dma_start3A_1064] : memref<25x250xi32, #tpu.memory_space<vmem>> -> memref<1x250xi32, #tpu.memory_space<vmem>>
      %dma_start3A_1066 = tpu.memref_squeeze %dma_start3A_1065 : memref<1x250xi32, #tpu.memory_space<vmem>> -> memref<250xi32, #tpu.memory_space<vmem>>
      %dma_start3A_1067 = arith.constant 0 : i32
      %dma_start3A_1068 = arith.constant 0 : i32
      %dma_start3A_1069 = tpu.memref_slice %arg8[%dma_start3A_1067, %dma_start3A_1068] : memref<512x64xf32, #tpu.memory_space<vmem_shared>> -> memref<512x64xf32, #tpu.memory_space<vmem_shared>>
      tpu.enqueue_indirect_dma source(%dma_start3A_1063 : memref<250x64xf32, #tpu.memory_space<vmem>>) target(%dma_start3A_1069 : memref<512x64xf32, #tpu.memory_space<vmem_shared>>) offsets(%dma_start3A_1066 : memref<250xi32, #tpu.memory_space<vmem>>) semaphore(%arg14 : memref<!tpu.dma_semaphore, #tpu.memory_space<semaphore_mem>>) {add = true}
      %dma_wait3A_1070 = arith.constant 4 : i32
      %dma_wait3A_1071 = arith.constant 0 : i32
      %dma_wait3A_1072 = arith.constant 0 : i32
      %dma_wait3A_1073 = tpu.memref_slice %arg6[%dma_wait3A_1070, %dma_wait3A_1071, %dma_wait3A_1072] : memref<5x250x64xf32, #tpu.memory_space<vmem>> -> memref<1x250x64xf32, #tpu.memory_space<vmem>>
      %dma_wait3A_1074 = tpu.memref_squeeze %dma_wait3A_1073 : memref<1x250x64xf32, #tpu.memory_space<vmem>> -> memref<250x64xf32, #tpu.memory_space<vmem>>
      %dma_wait3A_1075 = arith.constant 0 : i32
      %dma_wait3A_1076 = tpu.memref_slice %arg5[%add3A_1058, %dma_wait3A_1075] : memref<25x250xi32, #tpu.memory_space<vmem>> -> memref<1x250xi32, #tpu.memory_space<vmem>>
      %dma_wait3A_1077 = tpu.memref_squeeze %dma_wait3A_1076 : memref<1x250xi32, #tpu.memory_space<vmem>> -> memref<250xi32, #tpu.memory_space<vmem>>
      %dma_wait3A_1078 = arith.constant 0 : i32
      %dma_wait3A_1079 = arith.constant 0 : i32
      %dma_wait3A_1080 = tpu.memref_slice %arg8[%dma_wait3A_1078, %dma_wait3A_1079] : memref<512x64xf32, #tpu.memory_space<vmem_shared>> -> memref<512x64xf32, #tpu.memory_space<vmem_shared>>
      tpu.wait_indirect_dma semaphore(%arg14 : memref<!tpu.dma_semaphore, #tpu.memory_space<semaphore_mem>>) src(%dma_wait3A_1074 : memref<250x64xf32, #tpu.memory_space<vmem>>) dst(%dma_wait3A_1080 : memref<512x64xf32, #tpu.memory_space<vmem_shared>>)
      %add3A_1081 = arith.constant 4 : i32
      %add3A_1082 = arith.addi %mul3A_848, %add3A_1081 : i32
      %add3A_1083 = arith.constant 5 : i32
      %add3A_1084 = arith.addi %add3A_1082, %add3A_1083 : i32
      %lt3A_1085 = arith.constant 25 : i32
      %lt3A_1086 = arith.cmpi slt, %add3A_1084, %lt3A_1085 : i32
      %convert_element_type3A_1087 = arith.extui %lt3A_1086 : i1 to i32
      %cond3A_1088 = arith.constant 0 : i32
      %cond3A_1089 = arith.cmpi ne, %convert_element_type3A_1087, %cond3A_1088 : i32
      scf.if %cond3A_1089 {
        %add3A_1090 = arith.constant 4 : i32
        %add3A_1091 = arith.addi %mul3A_848, %add3A_1090 : i32
        %add3A_1092 = arith.constant 5 : i32
        %add3A_1093 = arith.addi %add3A_1091, %add3A_1092 : i32
        %mul3A_1094 = arith.constant 250 : i32
        %mul3A_1095 = arith.muli %add3A_1093, %mul3A_1094 : i32
        %add3A_1096 = arith.addi %mul3A_2, %mul3A_1095 : i32
        %dma_start3A_1097 = arith.constant 4 : i32
        %dma_start3A_1098 = arith.constant 0 : i32
        %dma_start3A_1099 = arith.constant 0 : i32
        %dma_start3A_1100 = tpu.memref_slice %arg6[%dma_start3A_1097, %dma_start3A_1098, %dma_start3A_1099] : memref<5x250x64xf32, #tpu.memory_space<vmem>> -> memref<1x250x64xf32, #tpu.memory_space<vmem>>
        %dma_start3A_1101 = tpu.memref_squeeze %dma_start3A_1100 : memref<1x250x64xf32, #tpu.memory_space<vmem>> -> memref<250x64xf32, #tpu.memory_space<vmem>>
        %dma_start3A_1102 = tpu.memref_slice %arg2[%add3A_1096, %mul3A_0] : memref<100000x128xf32, #tpu.memory_space<hbm>> -> memref<250x64xf32, #tpu.memory_space<hbm>>
        %dma_start3A_1103 = arith.constant 0 : i32
        %dma_start3A_1104 = arith.constant 0 : i32
        %dma_start3A_1105 = tpu.memref_slice %arg6[%dma_start3A_1097, %dma_start3A_1103, %dma_start3A_1104] : memref<5x250x64xf32, #tpu.memory_space<vmem>> -> memref<1x250x64xf32, #tpu.memory_space<vmem>>
        %dma_start3A_1106 = tpu.memref_squeeze %dma_start3A_1105 : memref<1x250x64xf32, #tpu.memory_space<vmem>> -> memref<250x64xf32, #tpu.memory_space<vmem>>
        %dma_start3A_1107 = tpu.memref_slice %arg2[%add3A_1096, %mul3A_0] : memref<100000x128xf32, #tpu.memory_space<hbm>> -> memref<250x64xf32, #tpu.memory_space<hbm>>
        tpu.enqueue_dma source(%dma_start3A_1107 : memref<250x64xf32, #tpu.memory_space<hbm>>) target(%dma_start3A_1106 : memref<250x64xf32, #tpu.memory_space<vmem>>) target_semaphore(%arg13 : memref<!tpu.dma_semaphore, #tpu.memory_space<semaphore_mem>>)
      } else {
      }
    }
    %scan3A_840 = arith.constant 5 : i32
    %barrier3A_841 = arith.constant 0 : index
    tpu.barrier barrier_id(%barrier3A_841)
    %mul3A_842 = arith.constant 32 : i32
    %mul3A_843 = arith.muli %arg1, %mul3A_842 : i32
    %mul3A_844 = arith.constant 32 : i32
    %mul3A_845 = arith.muli %arg1, %mul3A_844 : i32
    "tpu.region"() ({
      %run_scoped3A = tpu.sem_alloc : memref<!tpu.dma_semaphore, #tpu.memory_space<semaphore_mem>>
      %dma_start3A_846 = tpu.memref_slice %arg4[%mul3A_845, %mul3A_0] : memref<512x128xf32, #tpu.memory_space<hbm>> -> memref<32x64xf32, #tpu.memory_space<hbm>>
      %dma_start3A_847 = arith.constant 0 : i32
      %dma_start3A_848 = tpu.memref_slice %arg8[%mul3A_843, %dma_start3A_847] : memref<512x64xf32, #tpu.memory_space<vmem_shared>> -> memref<32x64xf32, #tpu.memory_space<vmem_shared>>
      tpu.enqueue_dma source(%dma_start3A_848 : memref<32x64xf32, #tpu.memory_space<vmem_shared>>) target(%dma_start3A_846 : memref<32x64xf32, #tpu.memory_space<hbm>>) target_semaphore(%run_scoped3A : memref<!tpu.dma_semaphore, #tpu.memory_space<semaphore_mem>>)
      %dma_wait3A = tpu.memref_slice %arg4[%mul3A_845, %mul3A_0] : memref<512x128xf32, #tpu.memory_space<hbm>> -> memref<32x64xf32, #tpu.memory_space<hbm>>
      %dma_wait3A_849 = arith.constant 0 : i32
      %dma_wait3A_850 = tpu.memref_slice %arg8[%mul3A_843, %dma_wait3A_849] : memref<512x64xf32, #tpu.memory_space<vmem_shared>> -> memref<32x64xf32, #tpu.memory_space<vmem_shared>>
      tpu.wait_dma2 semaphore(%run_scoped3A : memref<!tpu.dma_semaphore, #tpu.memory_space<semaphore_mem>>) src(%dma_wait3A_850 : memref<32x64xf32, #tpu.memory_space<vmem_shared>>) dst(%dma_wait3A : memref<32x64xf32, #tpu.memory_space<hbm>>)
      tpu.yield
    }) : () -> ()
    return
  }
}

module attributes {stable_mosaic.version = 14 : i64} {
  func.func @_copy_body(%arg0: i32, %arg1: memref<4000x128xf32, #tpu.memory_space<vmem>>, %arg2: memref<4000x128xf32, #tpu.memory_space<vmem>>) attributes {dimension_semantics = [#tpu.dimension_semantics<arbitrary>], iteration_bounds = array<i64: 25>, scalar_prefetch = 0 : i64, scratch_operands = 0 : i64, tpu.core_type = #tpu.core_type<tc>, window_params = [{transform_indices = @transform_0, window_bounds = array<i64: 4000, 128>}, {transform_indices = @transform_1, window_bounds = array<i64: 4000, 128>}]} {
    %get3A = arith.constant 0 : index
    %get3A_0 = arith.constant 0 : index
    %get3A_1 = vector.load %arg1[%get3A, %get3A_0] : memref<4000x128xf32, #tpu.memory_space<vmem>>, vector<4000x128xf32>
    %swap3A = arith.constant 0 : index
    %swap3A_2 = arith.constant 0 : index
    %swap3A_3 = vector.load %arg2[%swap3A, %swap3A_2] : memref<4000x128xf32, #tpu.memory_space<vmem>>, vector<4000x128xf32>
    tpu.vector_store %arg2[%swap3A, %swap3A_2], %get3A_1 {strides = array<i32>} : memref<4000x128xf32, #tpu.memory_space<vmem>>, vector<4000x128xf32>,
    return
  }
  func.func @transform_0(%arg0: i32) -> (i32, i32) {
    %c0_i32 = arith.constant 0 : i32
    %c0_i32_0 = arith.constant 0 : i32
    return %arg0, %c0_i32 : i32, i32
  }
  func.func @transform_1(%arg0: i32) -> (i32, i32) {
    %c0_i32 = arith.constant 0 : i32
    %c0_i32_0 = arith.constant 0 : i32
    return %arg0, %c0_i32 : i32, i32
  }
}

</mosaic_0001>

<sc_bundles>
// kernel: kernel.4.cloned.1.call-start
scs
__scs_entry_jumppad:
0x0: {  	(pc) =	sbr.rel $0x88, $3  }
0x1: {  	(tag) =	ssettag $0x0;
	lr =	simm.s32 $0x1  }
0x2: {  	[smem:$0x3F9F] =	sst lr;
	_ =	strace $0xD0000000  }
0x3: {  	_ = 	snop  }
0x4: {  	_ = 	snop  }
0x5: {  	_ = 	snop  }
0x6: {  	_ = 	snop  }
0x7: {  	_ = 	snop  }
__scs_overlays_trampoline_lowered:
0x8: {  	[smem:$0x3FAE] =	sst s0  }
0x9: {  	[smem:$0x3FAF] =	sst s1  }
0xa: {  	[smem:$0x3FB0] =	sst s2  }
0xb: {  	[smem:$0x3FB1] =	sst s3  }
0xc: {  	[smem:$0x3FB2] =	sst s4  }
0xd: {  	[smem:$0x3FB3] =	sst s5  }
0xe: {  	[smem:$0x3FB4] =	sst s6  }
0xf: {  	[smem:$0x3FB5] =	sst s7  }
0x10: {  	[smem:$0x3FB6] =	sst s8  }
0x11: {  	[smem:$0x3FB7] =	sst s9;
	s0 =	simm.s32 @!p0 $0x0  }
0x12: {  	s1 =	sld [smem:$0x3F9D];
	s0 =	simm.s32 @p0 $0x1  }
0x13: {  	[smem:$0x3FB8] =	sst s0;
	s0 =	simm.s32 @!p1 $0x0  }
0x14: {  	s2 =	sld [smem:$0x3F9C];
	s0 =	simm.s32 @p1 $0x1  }
0x15: {  	[smem:$0x3FB9] =	sst s0;
	s0 =	simm.s32 @!p2 $0x0  }
0x16: {  	s3 =	sld [smem:$0x3FDB];
	s0 =	simm.s32 @p2 $0x1  }
0x17: {  	s4 =	simm.s32 $0x1BF5;
	[smem:$0x3FBB] =	sst s0  }
0x18: {  	s0 =	sld [smem:$0x3F9E];
	_ =	swait.ge [sflag:s4], $0x0  }
0x19: {  	s7 =	sld [smem:$0x3F9F]  }
0x1a: {  	s8 =	sadd.s32 $0xFFFFE003, lr  }
0x1b: {  	s9 =	sadd.s32 $0xFFFFFEF7, lr;
	s5 =	simm.s32 $0xFFFFFFFF;
	p2 =	slt.u32 s8, $0xFFFFF086  }
0x1c: {  	p1 =	slt.u32 s9, $0xF7A;
	s5 =	simm.s32 @!p2 $0x0  }
0x1d: {  	s5 =	simm.s32 @p1 $0x1;
	p0 =	seq.s32 s7, s2  }
0x1e: {  	s7 =	smul.u32 @!p0 $0xF7A, s2;
	p2 =	seq.s32 @!p0 s5, $0x0  }
0x1f: {  	s9 =	smul.u32 $0xF7A, s1;
	s8 =	simm.s32 @!p0 $0x1BF5;
	p2 =	por !p2, p0  }
0x20: {  	[sflag:s8] =	ssyncset.s32 @!p0 $0xFFFFF086;
	s6 =	sadd.s32 @!p0 s3, s7;
	s7 =	simm.s32 @!p0 $0x108  }
0x21: {  	s3 =	sadd.s32 s3, s9;
	s6 =	sadd.s32 @!p0 $0x88, s6;
	s7 =	simm.s32 @p2 $0x1082  }
0x22: {  	[simem:s7], [sflag:s8] =	dma.local @!p0 [hbm:s6], $0xF7A  }
0x23: {  	s9 =	sor.u32 $0xD0000000, s2;
	s6 =	simm.s32 $0x108;
	_ =	swait.ge @!p0 [sflag:s8], $0x0  }
0x24: {  	s3 =	sadd.s32 $0x88, s3;
	s6 =	simm.s32 @!p1 $0x1082;
	[sflag:s4] =	ssyncset.s32 $0xFFFFF086  }
0x25: {  	[simem:s6], [sflag:s4] =	dma.local [hbm:s3], $0xF7A  }
0x26: {  	[smem:$0x3F9F] =	sst s1;
	(tag) =	ssettag s2;
	_ =	strace s9  }
0x27: {  	s1 =	sld [smem:$0x3FAF]  }
0x28: {  	s2 =	sld [smem:$0x3FB0]  }
0x29: {  	s4 =	sld [smem:$0x3FB2]  }
0x2a: {  	p0 =	seq.s32 s5, $0x0;
	s5 =	sld [smem:$0x3FB3]  }
0x2b: {  	s6 =	sld [smem:$0x3FB4]  }
0x2c: {  	s7 =	sld [smem:$0x3FB5]  }
0x2d: {  	s3 =	simm.s32 $0x108;
	s8 =	sld [smem:$0x3FB6]  }
0x2e: {  	s3 =	simm.s32 @!p0 $0x1082;
	s9 =	sld [smem:$0x3FB7]  }
0x2f: {  	lr =	sadd.s32 s0, s3;
	s0 =	sld [smem:$0x3FAE]  }
0x30: {  	s3 =	sld [smem:$0x3FB1]  }
0x31: {  	[smem:$0x3FBA] =	sst s10  }
0x32: {  	s10 =	sld [smem:$0x3FB8];
	_ =	sdelay $0x3  }
0x33: {  	p0 =	seq.s32 s10, $0x1;
	s10 =	sld [smem:$0x3FBA];
	_ =	sdelay $0x3  }
0x34: {  	[smem:$0x3FBA] =	sst s10  }
0x35: {  	s10 =	sld [smem:$0x3FB9];
	_ =	sdelay $0x3  }
0x36: {  	p1 =	seq.s32 s10, $0x1;
	s10 =	sld [smem:$0x3FBA];
	_ =	sdelay $0x3  }
0x37: {  	[smem:$0x3FBA] =	sst s10  }
0x38: {  	s10 =	sld [smem:$0x3FBB]  }
0x39: {  	_ = 	snop;
	(pc) =	sbr.ind lr, $3  }
0x3a: {  	_ = 	snop  }
0x3b: {  	_ = 	snop  }
0x3c: {  	p2 =	seq.s32 s10, $0x1;
	s10 =	sld [smem:$0x3FBA]  }
0x3d: {  	_ =	shalt  }
0x3e: {  	_ =	shalt  }
0x3f: {  	_ =	shalt  }
0x40: {  	_ =	shalt  }
0x41: {  	_ =	shalt  }
0x42: {  	_ =	shalt  }
0x43: {  	_ =	shalt  }
0x44: {  	_ =	shalt  }
0x45: {  	_ =	shalt  }
0x46: {  	_ =	shalt  }
0x47: {  	_ =	shalt  }
0x48: {  	_ =	shalt  }
0x49: {  	_ =	shalt  }
0x4a: {  	_ =	shalt  }
0x4b: {  	_ =	shalt  }
0x4c: {  	_ =	shalt  }
0x4d: {  	_ =	shalt  }
0x4e: {  	_ =	shalt  }
0x4f: {  	_ =	shalt  }
0x50: {  	_ =	shalt  }
0x51: {  	_ =	shalt  }
0x52: {  	_ =	shalt  }
0x53: {  	_ =	shalt  }
0x54: {  	_ =	shalt  }
0x55: {  	_ =	shalt  }
0x56: {  	_ =	shalt  }
0x57: {  	_ =	shalt  }
0x58: {  	_ =	shalt  }
0x59: {  	_ =	shalt  }
0x5a: {  	_ =	shalt  }
0x5b: {  	_ =	shalt  }
0x5c: {  	_ =	shalt  }
0x5d: {  	_ =	shalt  }
0x5e: {  	_ =	shalt  }
0x5f: {  	_ =	shalt  }
0x60: {  	_ =	shalt  }
0x61: {  	_ =	shalt  }
0x62: {  	_ =	shalt  }
0x63: {  	_ =	shalt  }
0x64: {  	_ =	shalt  }
0x65: {  	_ =	shalt  }
0x66: {  	_ =	shalt  }
0x67: {  	_ =	shalt  }
0x68: {  	_ =	shalt  }
0x69: {  	_ =	shalt  }
0x6a: {  	_ =	shalt  }
0x6b: {  	_ =	shalt  }
0x6c: {  	_ =	shalt  }
0x6d: {  	_ =	shalt  }
0x6e: {  	_ =	shalt  }
0x6f: {  	_ =	shalt  }
0x70: {  	_ =	shalt  }
0x71: {  	_ =	shalt  }
0x72: {  	_ =	shalt  }
0x73: {  	_ =	shalt  }
0x74: {  	_ =	shalt  }
0x75: {  	_ =	shalt  }
0x76: {  	_ =	shalt  }
0x77: {  	_ =	shalt  }
0x78: {  	_ =	shalt  }
0x79: {  	_ =	shalt  }
0x7a: {  	_ =	shalt  }
0x7b: {  	_ =	shalt  }
0x7c: {  	_ =	shalt  }
0x7d: {  	_ =	shalt  }
0x7e: {  	_ =	shalt  }
0x7f: {  	_ =	shalt  }
0x80: {  	_ =	shalt  }
0x81: {  	_ =	shalt  }
0x82: {  	_ =	shalt  }
0x83: {  	_ =	shalt  }
0x84: {  	_ =	shalt  }
0x85: {  	_ =	shalt  }
0x86: {  	_ =	shalt  }
0x87: {  	_ =	shalt  }
.Lfunc_end0:
.L_simem_size_0:
called_computation_lowered:
.L_overlay_start_0:
0x88: {  	s2 =	sld [smem:$0x3FD9]  }
0x89: {  	s3 =	sld [smem:$0x3FFE];
	_ =	sdelay $0x1  }
0x8a: {  	s1 =	srdreg.scid  }
0x8b: {  	s0 =	sand.u32 $0x1, s1  }
0x8c: {  	s14 =	sshll.u32 s0, $0xA;
	s2 =	sadd.s32 s3, s2  }
0x8d: {  	s2 =	sadd.s32 s2, s14  }
0x8e: {  	[smem:$0x3FC6] =	sst s2  }
0x8f: {  	_ = 	snop  }
0x90: {  	s2 =	sld [smem:$0x3FD0];
	_ =	sdelay $0x2  }
0x91: {  	s4 =	simm.s32 $0xA;
	s5 =	simm.s32 $0x10;
	s15 =	sld [smem:$0x3FC9]  }
0x92: {  	[smem:s5], [sflag:s4] =	dma.local [hbm:s2], $0x1  }
0x93: {  	_ =	swait.eq [sflag:s4], $0x1  }
0x94: {  	[sflag:s4] =	ssyncset.done $0x0  }
0x95: {  	[sflag:s4] =	ssyncadd.s32 $0xFFFFFFFF  }
0x96: {  	s16 =	sld [smem:$0x11];
	(tm) =	ssettm $0x1  }
0x97: {  	s17 =	sld [smem:$0x3FFB];
	_ =	sdelay $0x3  }
0x98: {  	_ =	strace s17  }
0x99: {  	s4 =	sld [smem:$0x3FFC];
	_ =	sdelay $0x3  }
0x9a: {  	_ =	strace s4  }
0x9b: {  	s4 =	sld [smem:$0x3FFD];
	_ =	sdelay $0x3  }
0x9c: {  	_ =	strace s4  }
0x9d: {  	_ =	strace $0x8FFFFFFF  }
0x9e: {  	s18 =	sld [smem:$0x3FDB];
	_ =	sdelay $0x1  }
0x9f: {  	s19 =	simm.s32 $_scs_section_size  }
0xa0: {  	s6 =	simm.s32 $_size__tile_overlayer_lowered;
	s7 =	simm.s32 $_tile_overlayer_lowered  }
0xa1: {  	s22 =	simm.s32 $0x1BFF;
	s21 =	sshll.u32 s7, $0x1;
	s4 =	sadd.s32 s19, s18  }
0xa2: {  	s8 =	simm.s32 $0x0;
	s20 =	sshll.u32 s6, $0x1;
	s6 =	sadd.s32 s21, s4  }
0xa3: {  	[timem:s8], [sflag:s22] =	dma.local [hbm:s6], s20  }
0xa4: {  	_ =	swait.ge [sflag:s22], s20  }
0xa5: {  	s5 =	ssub.s32 $0x0, s20;
	[sflag:s22] =	ssyncset.done $0x0  }
0xa6: {  	[sflag:s22] =	ssyncadd.s32 s5;
	_ =	sdelay $0x1  }
0xa7: {  	s23 =	simm.s32 $0x1B8B  }
0xa8: {  	_ =	swait.ge [sflag:s23], $0x1  }
0xa9: {  	[sflag:s23] =	ssyncset.done $0x0  }
0xaa: {  	s25 =	simm.s32 $0x1B8E;
	s24 =	sld [smem:$0x3FFE];
	[sflag:s23] =	ssyncadd.s32 $0xFFFFFFFF  }
0xab: {  	s26 =	simm.s32 $execute0_lowered;
	[smem:$0x3FD2] =	sst s25  }
0xac: {  	s6 =	sshll.u32 s26, $0x1;
	_ =	strace $0x80000046;
	[dreg:$0x1] =	wrdreg $0xFFFFFFFF  }
0xad: {  	s28 =	simm.s32 $_size_execute0_lowered;
	s4 =	sadd.s32 s4, s6;
	[dreg:$0x0] =	wrdreg $0x0  }
0xae: {  	s6 =	sshll.u32 s28, $0x1;
	[dreg:$0x2] =	wrdreg s4  }
0xaf: {  	[dreg:$0x3] =	wrdreg s6  }
0xb0: {  	[dreg:$0x4] =	wrdreg $0xC0  }
0xb1: {  	_ =	task [dreg:s8], $0x5FFFF  }
0xb2: {  	[dreg:$0x1] =	wrdreg $0xFFFFFFFF  }
0xb3: {  	[dreg:$0x0] =	wrdreg $0x60  }
0xb4: {  	[dreg:$0x2] =	wrdreg s15  }
0xb5: {  	[dreg:$0x3] =	wrdreg s24  }
0xb6: {  	[dreg:$0x4] =	wrdreg s16  }
0xb7: {  	[dreg:$0x5] =	wrdreg $0x159800  }
0xb8: {  	[dreg:$0x6] =	wrdreg $0x9  }
0xb9: {  	_ =	task.clear_ibuf [dreg:s8], $0x7FFFF;
	_ =	strace $0x90000046  }
0xba: {  	s29 =	simm.s32 $0x9;
	_ =	strace $0x80000048  }
0xbb: {  	_ =	swait.ge [sflag:s29], $0x1  }
0xbc: {  	[sflag:s29] =	ssyncadd.s32 $0xFFFFFFFF  }
0xbd: {  	_ =	strace $0x90000048  }
0xbe: {  	_ =	sfence  }
0xbf: {  	s30 =	sld [smem:$0x0];
	_ =	sdelay $0x2  }
0xc0: {  	s31 =	sshll.u32 s1, $0xD;
	s1 =	sshrl.u32 s1, $0x2  }
0xc1: {  	s3 =	sand.u32 $0x4000, s31;
	s1 =	sadd.s32 s1, s30  }
0xc2: {  	s0 =	sor.u32 s3, s0;
	s1 =	sshll.u32 s1, $0x11  }
0xc3: {  	s0 =	sor.u32 s1, s0  }
0xc4: {  	s0 =	sadd.s32 $0x8F2B, s0  }
0xc5: {  	[sflag:s0] =	ssyncadd.remote.s32 $0x1  }
0xc6: {  	_ =	sfence.sel $0xFFFF  }
0xc7: {  	[dreg:$0x0] =	wrdreg $0xFFFFFFFF;
	(pc) =	sbr.abs _section_cstart, $3  }
0xc8: {  	[dreg:$0x1] =	wrdreg $0xFFFFFFFF  }
0xc9: {  	_ =	task.clear_ibuf [dreg:s8], $0x2FFFF;
	_ =	strace $0x9FFFFFFF  }
0xca: {  	(tm) =	ssettm $0x7FFFFFFF  }
0xcb: {  	_ =	shalt  }
tec
execute0_lowered:
.L_overlay_start_1:
0x0: {  	(tag) =	ssettag $0x1  }
0x1: {  	s1 =	rddreg [dreg:$0x0]  }
0x2: {  	s0 =	rddreg [dreg:$0x1]  }
0x3: {  	s2 =	rddreg [dreg:$0x2]  }
0x4: {  	s3 =	rddreg [dreg:$0x3]  }
0x5: {  	s5 =	simm.s32 $0x0;
	s10 =	stileid.u32;
	s4 =	srdreg.scid  }
0x6: {  	s28 =	simm.s32 $0x11300;
	s29 =	simm.s32 $0x1;
	s30 =	simm.s32 $0xFA  }
0x7: {  	s31 =	simm.s32 $0x6;
	[smem:$0x7FF] =	sst s5;
	s24 =	smul.u32 $0x320, s10  }
0x8: {  	s4 =	sand.u32 $0x1, s4;
	s7 =	smul.u32 $0xC3500, s10;
	s26 =	sshll.u32 s10, $0xB  }
0x9: {  	s15 =	sshll.u32 s10, $0xC;
	_ =	strace $0x80000047;
	s6 =	ssub.s32 $0x2, s4  }
0xa: {  	s4 =	sshll.u32 s4, $0x6;
	s5 =	sadd.s32 s26, s3;
	s0 =	sadd.s32 s24, s0  }
0xb: {  	s25 =	sshrl.u32 s6, $0x1;
	s9 =	sor.u32 s4, s7;
	s4 =	sor.u32 s4, s15  }
0xc: {  	s6 =	ssub.s32 s6, s25;
	s0 =	sadd.s32 $0x400, s0;
	s8 =	sshrl.u32 s9, $0x3  }
0xd: {  	s11 =	sadd.s32 $0x7D00, s9;
	s7 =	sadd.s32 $0xFA00, s9;
	s14 =	sadd.s32 $0x1F400, s9  }
0xe: {  	s16 =	sadd.s32 $0x46500, s9;
	s17 =	sshrl.u32 s4, $0x3;
	s21 =	sadd.s32 $0x3E800, s9  }
0xf: {  	s22 =	sadd.s32 $0x36B00, s9;
	s23 =	sadd.s32 $0x2EE00, s9;
	s26 =	sadd.s32 $0x27100, s9  }
0x10: {  	[dreg:$0x5] =	wrdreg s0;
	s0 =	sadd.s32 s1, s8;
	s7 =	sshrl.u32 s7, $0x3  }
0x11: {  	s8 =	sadd.s32 $0x17700, s9;
	s18 =	sshrl.u32 s16, $0x3;
	[dreg:$0x11] =	wrdreg s26  }
0x12: {  	s19 =	smax.u32 s6, $0x1;
	s4 =	sshrl.u32 s23, $0x3;
	[dreg:$0x6] =	wrdreg s0  }
0x13: {  	s23 =	simm.s32 $0x1900;
	s12 =	sadd.s32 s1, s7;
	[dreg:$0xc] =	wrdreg s19  }
0x14: {  	s0 =	sshrl.u32 s11, $0x3;
	s20 =	sadd.s32 s18, s1;
	[dreg:$0x8] =	wrdreg s12  }
0x15: {  	s13 =	sshrl.u32 s8, $0x3;
	s0 =	sadd.s32 s1, s0;
	[dreg:$0xd] =	wrdreg s20  }
0x16: {  	s25 =	sadd.s32 s4, s1;
	[dreg:$0x7] =	wrdreg s0;
	s0 =	sadd.s32 s1, s13  }
0x17: {  	s4 =	simm.s32 $0x5;
	[dreg:$0x9] =	wrdreg s0;
	s0 =	sshrl.u32 s14, $0x3  }
0x18: {  	[dreg:$0x10] =	wrdreg s25;
	s20 =	simm.s32 $0x7;
	s0 =	sadd.s32 s1, s0  }
.Ltmp0:
0x19: {  	s25 =	simm.s32 $0x9600;
	[dreg:$0xa] =	wrdreg s0;
	(pc) =	sbr.rel .LBB2_1-.Ltmp0, $4  }
0x1a: {  	s0 =	sadd.s32 s2, s17;
	s2 =	sshrl.u32 s22, $0x3;
	s22 =	simm.s32 $0x80  }
0x1b: {  	[dreg:$0xb] =	wrdreg s0;
	s0 =	sshrl.u32 s21, $0x3;
	s24 =	sadd.s32 s2, s1  }
0x1c: {  	s21 =	simm.s32 $0x40;
	s0 =	sadd.s32 s0, s1;
	[dreg:$0xf] =	wrdreg s24  }
0x1d: {  	v0 =	vimm.f32 $0.0e+00;
	s24 =	simm.s32 $0x0;
	[dreg:$0xe] =	wrdreg s0;
	s0 =	simm.s32 $0x3  }
.LBB2_4:
0x1e: {  	s2 =	stileid.u32;
	[bflag:$0x0] =	sbarrier.arrive $0xFFFF  }
0x1f: {  	s6 =	sshrl.u32 s5, $0x3;
	s8 =	simm.s32 $0x10;
	s2 =	sshll.u32 s2, $0x6  }
0x20: {  	s9 =	simm.s32 $0x8;
	s7 =	rddreg [dreg:$0xb];
	s2 =	sor.u32 $0x1C07, s2  }
0x21: {  	[hbm:s7@s8], [sflag:s2] =	dma.strided [spmem:s6@s9], $0x100, s29, $0x8   }
0x22: {  	_ =	swait.ge [sflag:s20], $0x100  }
0x23: {  	s24 =	sadd.s32 $0x1, s24;
	s26 =	rddreg [dreg:$0xc]  }
0x24: {  	p0 =	sne.s32 s24, s26  }
.Ltmp1:
0x25: {  	_ = 	snop;
	(pc) =	sbr.rel @!p0 .LBB2_5-.Ltmp1, $3  }
0x26: {  	_ =	sdelay $0x1  }
0x27: {  	[sflag:s20] =	ssyncset.done $0x0  }
0x28: {  	[sflag:s20] =	ssyncadd.s32 $0xFFFFFF00  }
.LBB2_1:
0x29: {  	[tilespmem:$0x15180] =	vst v0  }
0x2a: {  	[tilespmem:$0x15190] =	vst v0  }
0x2b: {  	[tilespmem:$0x151A0] =	vst v0  }
0x2c: {  	[tilespmem:$0x151B0] =	vst v0  }
0x2d: {  	[tilespmem:$0x151C0] =	vst v0  }
0x2e: {  	[tilespmem:$0x151D0] =	vst v0  }
0x2f: {  	[tilespmem:$0x151E0] =	vst v0  }
0x30: {  	[tilespmem:$0x151F0] =	vst v0  }
0x31: {  	[tilespmem:$0x15200] =	vst v0  }
0x32: {  	[tilespmem:$0x15210] =	vst v0  }
0x33: {  	[tilespmem:$0x15220] =	vst v0  }
0x34: {  	[tilespmem:$0x15230] =	vst v0  }
0x35: {  	[tilespmem:$0x15240] =	vst v0  }
0x36: {  	[tilespmem:$0x15250] =	vst v0  }
0x37: {  	[tilespmem:$0x15260] =	vst v0  }
0x38: {  	[tilespmem:$0x15270] =	vst v0  }
0x39: {  	[tilespmem:$0x15280] =	vst v0  }
0x3a: {  	[tilespmem:$0x15290] =	vst v0  }
0x3b: {  	[tilespmem:$0x152A0] =	vst v0  }
0x3c: {  	[tilespmem:$0x152B0] =	vst v0  }
0x3d: {  	[tilespmem:$0x152C0] =	vst v0  }
0x3e: {  	[tilespmem:$0x152D0] =	vst v0  }
0x3f: {  	[tilespmem:$0x152E0] =	vst v0  }
0x40: {  	[tilespmem:$0x152F0] =	vst v0  }
0x41: {  	[tilespmem:$0x15300] =	vst v0  }
0x42: {  	[tilespmem:$0x15310] =	vst v0  }
0x43: {  	[tilespmem:$0x15320] =	vst v0  }
0x44: {  	[tilespmem:$0x15330] =	vst v0  }
0x45: {  	[tilespmem:$0x15340] =	vst v0  }
0x46: {  	[tilespmem:$0x15350] =	vst v0  }
0x47: {  	[tilespmem:$0x15360] =	vst v0  }
0x48: {  	[tilespmem:$0x15370] =	vst v0  }
0x49: {  	[tilespmem:$0x15380] =	vst v0  }
0x4a: {  	[tilespmem:$0x15390] =	vst v0  }
0x4b: {  	[tilespmem:$0x153A0] =	vst v0  }
0x4c: {  	[tilespmem:$0x153B0] =	vst v0  }
0x4d: {  	[tilespmem:$0x153C0] =	vst v0  }
0x4e: {  	[tilespmem:$0x153D0] =	vst v0  }
0x4f: {  	[tilespmem:$0x153E0] =	vst v0  }
0x50: {  	[tilespmem:$0x153F0] =	vst v0  }
0x51: {  	[tilespmem:$0x15400] =	vst v0  }
0x52: {  	[tilespmem:$0x15410] =	vst v0  }
0x53: {  	[tilespmem:$0x15420] =	vst v0  }
0x54: {  	[tilespmem:$0x15430] =	vst v0  }
0x55: {  	[tilespmem:$0x15440] =	vst v0  }
0x56: {  	[tilespmem:$0x15450] =	vst v0  }
0x57: {  	[tilespmem:$0x15460] =	vst v0  }
0x58: {  	[tilespmem:$0x15470] =	vst v0  }
0x59: {  	[tilespmem:$0x15480] =	vst v0  }
0x5a: {  	[tilespmem:$0x15490] =	vst v0  }
0x5b: {  	[tilespmem:$0x154A0] =	vst v0  }
0x5c: {  	[tilespmem:$0x154B0] =	vst v0  }
0x5d: {  	[tilespmem:$0x154C0] =	vst v0  }
0x5e: {  	[tilespmem:$0x154D0] =	vst v0  }
0x5f: {  	[tilespmem:$0x154E0] =	vst v0  }
0x60: {  	[tilespmem:$0x154F0] =	vst v0  }
0x61: {  	[tilespmem:$0x15500] =	vst v0  }
0x62: {  	[tilespmem:$0x15510] =	vst v0  }
0x63: {  	[tilespmem:$0x15520] =	vst v0  }
0x64: {  	[tilespmem:$0x15530] =	vst v0  }
0x65: {  	[tilespmem:$0x15540] =	vst v0  }
0x66: {  	[tilespmem:$0x15550] =	vst v0  }
0x67: {  	[tilespmem:$0x15560] =	vst v0  }
0x68: {  	[tilespmem:$0x15570] =	vst v0  }
0x69: {  	[tilespmem:$0x15580] =	vst v0  }
0x6a: {  	[tilespmem:$0x15590] =	vst v0  }
0x6b: {  	[tilespmem:$0x155A0] =	vst v0  }
0x6c: {  	[tilespmem:$0x155B0] =	vst v0  }
0x6d: {  	[tilespmem:$0x155C0] =	vst v0  }
0x6e: {  	[tilespmem:$0x155D0] =	vst v0  }
0x6f: {  	[tilespmem:$0x155E0] =	vst v0  }
0x70: {  	[tilespmem:$0x155F0] =	vst v0  }
0x71: {  	[tilespmem:$0x15600] =	vst v0  }
0x72: {  	[tilespmem:$0x15610] =	vst v0  }
0x73: {  	[tilespmem:$0x15620] =	vst v0  }
0x74: {  	[tilespmem:$0x15630] =	vst v0  }
0x75: {  	[tilespmem:$0x15640] =	vst v0  }
0x76: {  	[tilespmem:$0x15650] =	vst v0  }
0x77: {  	[tilespmem:$0x15660] =	vst v0  }
0x78: {  	[tilespmem:$0x15670] =	vst v0  }
0x79: {  	[tilespmem:$0x15680] =	vst v0  }
0x7a: {  	[tilespmem:$0x15690] =	vst v0  }
0x7b: {  	[tilespmem:$0x156A0] =	vst v0  }
0x7c: {  	[tilespmem:$0x156B0] =	vst v0  }
0x7d: {  	[tilespmem:$0x156C0] =	vst v0  }
0x7e: {  	[tilespmem:$0x156D0] =	vst v0  }
0x7f: {  	[tilespmem:$0x156E0] =	vst v0  }
0x80: {  	[tilespmem:$0x156F0] =	vst v0  }
0x81: {  	[tilespmem:$0x15700] =	vst v0  }
0x82: {  	[tilespmem:$0x15710] =	vst v0  }
0x83: {  	[tilespmem:$0x15720] =	vst v0  }
0x84: {  	[tilespmem:$0x15730] =	vst v0  }
0x85: {  	[tilespmem:$0x15740] =	vst v0  }
0x86: {  	[tilespmem:$0x15750] =	vst v0  }
0x87: {  	[tilespmem:$0x15760] =	vst v0  }
0x88: {  	[tilespmem:$0x15770] =	vst v0  }
0x89: {  	[tilespmem:$0x15780] =	vst v0  }
0x8a: {  	[tilespmem:$0x15790] =	vst v0  }
0x8b: {  	[tilespmem:$0x157A0] =	vst v0  }
0x8c: {  	[tilespmem:$0x157B0] =	vst v0  }
0x8d: {  	[tilespmem:$0x157C0] =	vst v0  }
0x8e: {  	[tilespmem:$0x157D0] =	vst v0  }
0x8f: {  	[tilespmem:$0x157E0] =	vst v0  }
0x90: {  	[tilespmem:$0x157F0] =	vst v0  }
0x91: {  	[tilespmem:$0x15800] =	vst v0  }
0x92: {  	[tilespmem:$0x15810] =	vst v0  }
0x93: {  	[tilespmem:$0x15820] =	vst v0  }
0x94: {  	[tilespmem:$0x15830] =	vst v0  }
0x95: {  	[tilespmem:$0x15840] =	vst v0  }
0x96: {  	[tilespmem:$0x15850] =	vst v0  }
0x97: {  	[tilespmem:$0x15860] =	vst v0  }
0x98: {  	[tilespmem:$0x15870] =	vst v0  }
0x99: {  	[tilespmem:$0x15880] =	vst v0  }
0x9a: {  	[tilespmem:$0x15890] =	vst v0  }
0x9b: {  	[tilespmem:$0x158A0] =	vst v0  }
0x9c: {  	[tilespmem:$0x158B0] =	vst v0  }
0x9d: {  	[tilespmem:$0x158C0] =	vst v0  }
0x9e: {  	[tilespmem:$0x158D0] =	vst v0  }
0x9f: {  	[tilespmem:$0x158E0] =	vst v0  }
0xa0: {  	[tilespmem:$0x158F0] =	vst v0  }
0xa1: {  	[tilespmem:$0x15900] =	vst v0  }
0xa2: {  	[tilespmem:$0x15910] =	vst v0  }
0xa3: {  	[tilespmem:$0x15920] =	vst v0  }
0xa4: {  	[tilespmem:$0x15930] =	vst v0  }
0xa5: {  	[tilespmem:$0x15940] =	vst v0  }
0xa6: {  	[tilespmem:$0x15950] =	vst v0  }
0xa7: {  	[tilespmem:$0x15960] =	vst v0  }
0xa8: {  	[tilespmem:$0x15970] =	vst v0;
	s2 =	simm.s32 $0x15180  }
0xa9: {  	[spmem:s5] =	stream.linear.scatter [tilespmem:s2], [sflag:$0x7], $0x800, $0x38;
	[tilespmem:$0x16180] =	vst v63  }
0xaa: {  	_ =	swait.ge [sflag:s20], $0x800  }
0xab: {  	[sflag:s20] =	ssyncset.done $0x0  }
0xac: {  	s13 =	simm.s32 $0x0;
	s6 =	rddreg [dreg:$0x5];
	[sflag:s20] =	ssyncadd.s32 $0xFFFFF800  }
0xad: {  	[tilespmem:s13], [sflag:$0x7] =	stream.linear.gather [hbm4b:s6+s13], $0x1900, $0x38;
	[tilespmem:$0x16180] =	vst v63  }
0xae: {  	_ =	swait.ge [sflag:s20], $0x1900  }
0xaf: {  	[sflag:s20] =	ssyncset.done $0x0  }
0xb0: {  	[sflag:s20] =	ssyncadd.s32 $0xFFFFE700  }
0xb1: {  	[bflag:$0x0] =	sbarrier.arrive $0xFFFF  }
0xb2: {  	s14 =	rddreg [dreg:$0x6]  }
0xb3: {  	s15 =	rddreg [dreg:$0x7]  }
0xb4: {  	s17 =	rddreg [dreg:$0x8]  }
0xb5: {  	s18 =	rddreg [dreg:$0x9]  }
0xb6: {  	s26 =	rddreg [dreg:$0xa]  }
0xb7: {  	[tilespmem:s23], [sflag:$0x1] =	stream.strided.gather [hbm4b:s14+s21], $0x3E80, s22, s21, $0x38;
	[tilespmem:$0x16180] =	vst v63  }
0xb8: {  	s16 =	simm.s32 $0x5780;
	s14 =	rddreg [dreg:$0xd]  }
0xb9: {  	[tilespmem:s16], [sflag:$0x2] =	stream.strided.gather [hbm4b:s15+s21], $0x3E80, s22, s21, $0x38;
	[tilespmem:$0x16180] =	vst v63  }
0xba: {  	s16 =	rddreg [dreg:$0xf]  }
0xbb: {  	[tilespmem:s25], [sflag:$0x3] =	stream.strided.gather [hbm4b:s17+s21], $0x3E80, s22, s21, $0x38;
	[tilespmem:$0x16180] =	vst v63  }
0xbc: {  	s19 =	simm.s32 $0xD480;
	s15 =	rddreg [dreg:$0xe]  }
0xbd: {  	[tilespmem:s19], [sflag:$0x4] =	stream.strided.gather [hbm4b:s18+s21], $0x3E80, s22, s21, $0x38;
	[tilespmem:$0x16180] =	vst v63  }
0xbe: {  	s17 =	rddreg [dreg:$0x10]  }
0xbf: {  	[tilespmem:s28], [sflag:$0x5] =	stream.strided.gather [hbm4b:s26+s21], $0x3E80, s22, s21, $0x38;
	[tilespmem:$0x16180] =	vst v63  }
0xc0: {  	s18 =	rddreg [dreg:$0x11];
	s26 =	simm.s32 $0x0  }
.LBB2_2:
0xc1: {  	_ =	swait.ge [sflag:s29], $0x3E80  }
0xc2: {  	[sflag:s29] =	ssyncset.done $0x0  }
0xc3: {  	s9 =	sshra.s32 s26, $0x2;
	[sflag:s29] =	ssyncadd.s32 $0xFFFFC180  }
0xc4: {  	[spmem:s3] =	stream.indirect.scatter.add.f32 [tilespmem:s23], [sflag:$0x6], $0x40, s9, s30, $0xb8;
	[tilespmem:$0x16180] =	vst v63  }
0xc5: {  	_ =	swait.ge [sflag:s31], $0x3E80  }
0xc6: {  	p0 =	seq.s32 s26, $0x5000;
	[sflag:s31] =	ssyncset.done $0x0  }
0xc7: {  	s10 =	simm.s32 @p0 $0x2;
	[sflag:s31] =	ssyncadd.s32 $0xFFFFC180  }
0xc8: {  	_ =	swait.ge @p0 [sflag:s10], $0x3E80  }
0xc9: {  	[sflag:s10] =	ssyncset.done @p0 $0x0  }
0xca: {  	[sflag:s10] =	ssyncadd.s32 @p0 $0xFFFFC180;
	s10 =	sshra.s32 @p0 s26, $0x2  }
0xcb: {  	s12 =	simm.s32 @p0 $0xFA;
	s13 =	simm.s32 @p0 $0x5780;
	s11 =	sadd.s32 @p0 $0x100, s10  }
0xcc: {  	[spmem:s3] =	stream.indirect.scatter.add.f32 @p0 [tilespmem:s13], [sflag:$0x6], $0x40, s11, s12, $0xb8;
	[tilespmem:$0x16180] =	vst v63  }
0xcd: {  	s11 =	simm.s32 @p0 $0x6  }
0xce: {  	s8 =	simm.s32 @!p0 $0x40;
	_ =	swait.ge @p0 [sflag:s11], $0x3E80  }
0xcf: {  	s7 =	simm.s32 @!p0 $0x80;
	s13 =	sshrl.u32 @!p0 s18, $0x3;
	[sflag:s11] =	ssyncset.done @p0 $0x0  }
0xd0: {  	s6 =	simm.s32 @!p0 $0x1900;
	s13 =	sadd.s32 @!p0 s1, s13;
	[sflag:s11] =	ssyncadd.s32 @p0 $0xFFFFC180  }
0xd1: {  	[tilespmem:s6], [sflag:$0x1] =	stream.strided.gather @!p0 [hbm4b:s13+s8], $0x3E80, s7, s8, $0x38;
	[tilespmem:$0x16180] =	vst v63  }
0xd2: {  	s6 =	simm.s32 @!p0 $0x2  }
0xd3: {  	_ =	swait.ge @!p0 [sflag:s6], $0x3E80  }
0xd4: {  	[sflag:s6] =	ssyncset.done @!p0 $0x0  }
0xd5: {  	[sflag:s6] =	ssyncadd.s32 @!p0 $0xFFFFC180;
	s6 =	sshra.s32 @!p0 s26, $0x2  }
0xd6: {  	s19 =	simm.s32 @!p0 $0xFA;
	s2 =	simm.s32 @!p0 $0x5780;
	s13 =	sadd.s32 @!p0 $0x100, s6  }
0xd7: {  	[spmem:s3] =	stream.indirect.scatter.add.f32 @!p0 [tilespmem:s2], [sflag:$0x6], $0x40, s13, s19, $0xb8;
	[tilespmem:$0x16180] =	vst v63  }
0xd8: {  	s13 =	simm.s32 @!p0 $0x6  }
0xd9: {  	_ =	swait.ge @!p0 [sflag:s13], $0x3E80  }
0xda: {  	[sflag:s13] =	ssyncset.done @!p0 $0x0  }
0xdb: {  	[sflag:s13] =	ssyncadd.s32 @!p0 $0xFFFFC180  }
0xdc: {  	[tilespmem:s2], [sflag:$0x2] =	stream.strided.gather @!p0 [hbm4b:s17+s8], $0x3E80, s7, s8, $0x38;
	[tilespmem:$0x16180] =	vst v63  }
0xdd: {  	_ =	swait.ge [sflag:s0], $0x3E80  }
0xde: {  	[sflag:s0] =	ssyncset.done $0x0  }
0xdf: {  	s2 =	sadd.s32 $0x200, s9;
	[sflag:s0] =	ssyncadd.s32 $0xFFFFC180  }
0xe0: {  	[spmem:s3] =	stream.indirect.scatter.add.f32 [tilespmem:s25], [sflag:$0x6], $0x40, s2, s30, $0xb8;
	[tilespmem:$0x16180] =	vst v63  }
0xe1: {  	_ =	swait.ge [sflag:s31], $0x3E80  }
0xe2: {  	[sflag:s31] =	ssyncset.done $0x0  }
0xe3: {  	s2 =	simm.s32 @p0 $0x4;
	[sflag:s31] =	ssyncadd.s32 $0xFFFFC180  }
0xe4: {  	_ =	swait.ge @p0 [sflag:s2], $0x3E80  }
0xe5: {  	[sflag:s2] =	ssyncset.done @p0 $0x0  }
0xe6: {  	[sflag:s2] =	ssyncadd.s32 @p0 $0xFFFFC180;
	s2 =	sadd.s32 @p0 $0x300, s10;
	s10 =	simm.s32 @p0 $0xD480  }
0xe7: {  	[spmem:s3] =	stream.indirect.scatter.add.f32 @p0 [tilespmem:s10], [sflag:$0x6], $0x40, s2, s12, $0xb8;
	[tilespmem:$0x16180] =	vst v63  }
0xe8: {  	_ =	swait.ge @p0 [sflag:s11], $0x3E80  }
0xe9: {  	[sflag:s11] =	ssyncset.done @p0 $0x0  }
0xea: {  	s2 =	simm.s32 @!p0 $0x9600;
	[sflag:s11] =	ssyncadd.s32 @p0 $0xFFFFC180  }
0xeb: {  	[tilespmem:s2], [sflag:$0x3] =	stream.strided.gather @!p0 [hbm4b:s16+s8], $0x3E80, s7, s8, $0x38;
	[tilespmem:$0x16180] =	vst v63  }
0xec: {  	s2 =	simm.s32 @!p0 $0x4  }
0xed: {  	_ =	swait.ge @!p0 [sflag:s2], $0x3E80  }
0xee: {  	[sflag:s2] =	ssyncset.done @!p0 $0x0  }
0xef: {  	[sflag:s2] =	ssyncadd.s32 @!p0 $0xFFFFC180;
	s2 =	sadd.s32 @!p0 $0x300, s6;
	s6 =	simm.s32 @!p0 $0xD480  }
0xf0: {  	[spmem:s3] =	stream.indirect.scatter.add.f32 @!p0 [tilespmem:s6], [sflag:$0x6], $0x40, s2, s19, $0xb8;
	[tilespmem:$0x16180] =	vst v63  }
0xf1: {  	_ =	swait.ge @!p0 [sflag:s13], $0x3E80  }
0xf2: {  	[sflag:s13] =	ssyncset.done @!p0 $0x0  }
0xf3: {  	[sflag:s13] =	ssyncadd.s32 @!p0 $0xFFFFC180  }
0xf4: {  	[tilespmem:s6], [sflag:$0x4] =	stream.strided.gather @!p0 [hbm4b:s15+s8], $0x3E80, s7, s8, $0x38;
	[tilespmem:$0x16180] =	vst v63  }
0xf5: {  	_ =	swait.ge [sflag:s4], $0x3E80  }
0xf6: {  	[sflag:s4] =	ssyncset.done $0x0  }
.Ltmp2:
0xf7: {  	s19 =	sadd.s32 $0x400, s9;
	[sflag:s4] =	ssyncadd.s32 $0xFFFFC180;
	(pc) =	sbr.rel @p0 .LBB2_4-.Ltmp2, $4  }
0xf8: {  	[spmem:s3] =	stream.indirect.scatter.add.f32 [tilespmem:s28], [sflag:$0x6], $0x40, s19, s30, $0xb8;
	[tilespmem:$0x16180] =	vst v63  }
0xf9: {  	_ =	swait.ge [sflag:s31], $0x3E80  }
0xfa: {  	[sflag:s31] =	ssyncset.done $0x0  }
0xfb: {  	[sflag:s31] =	ssyncadd.s32 $0xFFFFC180  }
.Ltmp3:
0xfc: {  	(pc) =	sbr.rel .LBB2_2-.Ltmp3, $4  }
0xfd: {  	_ = 	snop  }
0xfe: {  	[tilespmem:s28], [sflag:$0x5] =	stream.strided.gather [hbm4b:s14+s21], $0x3E80, s22, s21, $0x38;
	[tilespmem:$0x16180] =	vst v63  }
0xff: {  	s14 =	sadd.s32 $0x4E20, s14;
	s15 =	sadd.s32 $0x4E20, s15;
	s16 =	sadd.s32 $0x4E20, s16  }
0x100: {  	s17 =	sadd.s32 $0x4E20, s17;
	s18 =	sadd.s32 $0x27100, s18;
	s26 =	sadd.s32 $0x1400, s26  }
.LBB2_5:
0x101: {  	_ =	sfence.sel $0x180000  }
0x102: {  	[bflag:$0x0] =	sbarrier.arrive $0xFFFF  }
0x103: {  	_ =	strace $0x90000047  }
0x104: {  	s0 =	stileid.u32;
	[bflag:$0x2] =	sbarrier.arrive $0xFFFF  }
0x105: {  	p0 =	sne.s32 s0, $0x0;
	s0 =	rddreg [dreg:$0x4]  }
0x106: {  	s0 =	sadd.s32 @!p0 $0x100000, s0  }
0x107: {  	[sflag:s0] =	ssyncadd.tile.s32 @!p0 $0x1;
	_ =	shalt  }
.Lfunc_end2:
_tile_overlayer_lowered:
.L_overlay_start_2:
0x108: {  	(tag) =	ssettag $0x2  }
0x109: {  	s0 =	rddreg [dreg:$0x0];
	s2 =	stileid.u32  }
0x10a: {  	s1 =	rddreg [dreg:$0x1];
	p0 =	sne.s32 s2, $0x0  }
0x10b: {  	s3 =	rddreg [dreg:$0x2];
	[bflag:$0x3] =	sbarrier.arrive $0xFFFF;
	s2 =	simm.s32 @!p0 $0x1C07  }
0x10c: {  	[timem:s3], [sflag:s2] =	dma.local @!p0 [hbm:s0], s1  }
0x10d: {  	s0 =	simm.s32 @!p0 $0x7  }
0x10e: {  	_ =	swait.ge @!p0 [sflag:s0], s1  }
0x10f: {  	s1 =	ssub.s32 @!p0 $0x0, s1;
	[sflag:s0] =	ssyncset.done @!p0 $0x0  }
0x110: {  	[sflag:s0] =	ssyncadd.s32 @!p0 s1  }
0x111: {  	[bflag:$0x3] =	sbarrier.arrive $0xFFFF  }
0x112: {  	_ =	shalt  }

</sc_bundles>
